<compile_context>
chip_gen: v7x
topology: tpu7x:2x2x1
jax: 0.10.2.dev20260603
libtpu: 0.0.44.dev20260713+nightly
codegen_flags: <defaults>
</compile_context>

<pallas_src>
import functools

import jax
import jax.numpy as jnp
from jax import lax
from jax.experimental import pallas as pl
from jax.experimental.pallas import tpu as pltpu
from jax.experimental.pallas import tpu_sc as plsc

NUM_RANKS = 13
NUM_SUITS = 4
EMBED_DIM = 128
BATCH = 16384
HIST = 200

_NC = 2
_NS = 16
_NW = _NC * _NS
_ROWS = BATCH * HIST
_ROWS_PER_W = _ROWS // _NW
_UNIT = 128
_NUNIT = _ROWS_PER_W // _UNIT
_NBUF = 4
_RTAB = NUM_RANKS + 1
_STAB = NUM_SUITS + 1
_CTAB = _RTAB * _STAB


def _body(cmb_hbm, rank_hbm, suit_hbm, out_hbm,
          rank_v, suit_v, tab, tab_sh, cidxs, obs,
          xsems, gsems, osems):
  wid = lax.axis_index("s") * _NC + lax.axis_index("c")
  row0 = wid * _ROWS_PER_W

  pltpu.sync_copy(rank_hbm, rank_v)
  pltpu.sync_copy(suit_hbm, suit_v)

  def build_r(r, _):
    def build_s(s, _):
      c = r * _STAB + s
      for k in range(EMBED_DIM // 16):
        sl = pl.ds(k * 16, 16)
        tab[c, sl] = rank_v[r, sl] + suit_v[s, sl]
      return 0
    return lax.fori_loop(0, _STAB, build_s, 0)
  lax.fori_loop(0, _RTAB, build_r, 0)

  @pl.when(lax.axis_index("s") == 0)
  def _():
    pltpu.sync_copy(tab, tab_sh)
  plsc.subcore_barrier()

  def x_copy(unit, b):
    base = row0 + unit * _UNIT
    return pltpu.make_async_copy(
        cmb_hbm.at[pl.ds(base, _UNIT)], cidxs[b], xsems[b])

  def gather_copy(b):
    return pltpu.make_async_copy(tab_sh.at[cidxs[b]], obs[b], gsems[b])

  def out_copy(unit, b):
    base = row0 + unit * _UNIT
    return pltpu.make_async_copy(
        obs[b], out_hbm.at[pl.ds(base, _UNIT)], osems[b])

  x_copy(0, 0).start()
  x_copy(1, 1).start()

  def do_unit(u, b):
    x_copy(u, b).wait()

    @pl.when(u >= _NBUF)
    def _():
      out_copy(u - _NBUF, b).wait()

    gather_copy(b).start()

    bpp = (b - 2) % _NBUF
    @pl.when(u >= 2)
    def _():
      gather_copy(bpp).wait()
      out_copy(u - 2, bpp).start()
    nxt = lax.rem(u + 2, _NUNIT)
    x_copy(nxt, (b + 2) % _NBUF).start()

  def loop(g, _):
    for i in range(_NBUF):
      do_unit(g * _NBUF + i, i)
    return 0
  lax.fori_loop(0, _NUNIT // _NBUF, loop, 0)

  for u in (_NUNIT - 2, _NUNIT - 1):
    gather_copy(u % _NBUF).wait()
    out_copy(u, u % _NBUF).start()
  for u in range(_NUNIT - _NBUF, _NUNIT):
    out_copy(u, u % _NBUF).wait()
  x_copy(0, 0).wait()
  x_copy(1, 1).wait()


@jax.jit
def _run(cmb, rank_table, suit_table):
  mesh = plsc.VectorSubcoreMesh(core_axis_name="c", subcore_axis_name="s")
  f = functools.partial(
      pl.kernel,
      out_type=jax.ShapeDtypeStruct((_ROWS, EMBED_DIM), jnp.float32),
      mesh=mesh,
      scratch_types=[
          pltpu.VMEM((_RTAB, EMBED_DIM), jnp.float32),
          pltpu.VMEM((_STAB, EMBED_DIM), jnp.float32),
          pltpu.VMEM((_CTAB, EMBED_DIM), jnp.float32),
          pltpu.VMEM_SHARED((_CTAB, EMBED_DIM), jnp.float32),
          [pltpu.VMEM((_UNIT,), jnp.int32) for _ in range(_NBUF)],
          [pltpu.VMEM((_UNIT, EMBED_DIM), jnp.float32) for _ in range(_NBUF)],
          [pltpu.SemaphoreType.DMA for _ in range(_NBUF)],
          [pltpu.SemaphoreType.DMA for _ in range(_NBUF)],
          [pltpu.SemaphoreType.DMA for _ in range(_NBUF)],
      ],
  )(_body)
  return f(cmb, rank_table, suit_table)


def kernel(x, rank_table, suit_table):
  cmb = (x[..., 0] * _STAB + x[..., 1]).reshape(-1)
  out = _run(cmb, rank_table, suit_table)
  return out.reshape(BATCH, HIST, EMBED_DIM)

# --- scband reference (transcript-rebuilt; emitter-appended) ---
"""Pipeline reference for scband-card-model-81106162417732 (READ-ONLY COPY).

The authoritative reference and input builder live on the scoring server;
editing this copy changes nothing except your own understanding.
"""

import jax, jax.numpy as jnp
import numpy as np

NUM_RANKS = 13
NUM_SUITS = 4
EMBED_DIM = 128
BATCH = 16384
HIST = 200


def setup_inputs(seed: int = 0) -> dict:
    key = jax.random.key(seed)
    k1, k2, k3 = jax.random.split(key, 3)
    x = jax.random.randint(k1, (BATCH, HIST, 2), 0, 5, dtype=jnp.int32)
    rank_table = jax.random.normal(k2, (NUM_RANKS + 1, EMBED_DIM), dtype=jnp.float32)
    suit_table = jax.random.normal(k3, (NUM_SUITS + 1, EMBED_DIM), dtype=jnp.float32)
    # padding_idx rows are zero, matching nn.Embedding(padding_idx=...)
    rank_table = rank_table.at[NUM_RANKS].set(0.0)
    suit_table = suit_table.at[NUM_SUITS].set(0.0)
    return {"x": x, "rank_table": rank_table, "suit_table": suit_table}


def reference(x, rank_table, suit_table):
    assert x.shape[-1] == 2
    rank_emb = jnp.take(rank_table, x[..., 0], axis=0)
    suit_emb = jnp.take(suit_table, x[..., 1], axis=0)
    return rank_emb + suit_emb

if __name__ == "__main__":
    import jax
    _d = setup_inputs()
    print(jax.jit(kernel)(*tuple(_d.values())))

</pallas_src>

<mosaic_0001>
#map = affine_map<(d0, d1) -> (0)>
#map1 = affine_map<(d0, d1) -> (0, 0)>
module attributes {stable_mosaic.version = 14 : i64} {
  func.func @_body(%arg0: i32, %arg1: i32, %arg2: memref<3276800xi32, #tpu.memory_space<hbm>>, %arg3: memref<14x128xf32, #tpu.memory_space<hbm>>, %arg4: memref<5x128xf32, #tpu.memory_space<hbm>>, %arg5: memref<3276800x128xf32, #tpu.memory_space<hbm>>, %arg6: memref<14x128xf32, #tpu.memory_space<vmem>>, %arg7: memref<5x128xf32, #tpu.memory_space<vmem>>, %arg8: memref<70x128xf32, #tpu.memory_space<vmem>>, %arg9: memref<70x128xf32, #tpu.memory_space<vmem_shared>>, %arg10: memref<128xi32, #tpu.memory_space<vmem>>, %arg11: memref<128xi32, #tpu.memory_space<vmem>>, %arg12: memref<128xi32, #tpu.memory_space<vmem>>, %arg13: memref<128xi32, #tpu.memory_space<vmem>>, %arg14: memref<128x128xf32, #tpu.memory_space<vmem>>, %arg15: memref<128x128xf32, #tpu.memory_space<vmem>>, %arg16: memref<128x128xf32, #tpu.memory_space<vmem>>, %arg17: memref<128x128xf32, #tpu.memory_space<vmem>>, %arg18: memref<!tpu.dma_semaphore, #tpu.memory_space<semaphore_mem>>, %arg19: memref<!tpu.dma_semaphore, #tpu.memory_space<semaphore_mem>>, %arg20: memref<!tpu.dma_semaphore, #tpu.memory_space<semaphore_mem>>, %arg21: memref<!tpu.dma_semaphore, #tpu.memory_space<semaphore_mem>>, %arg22: memref<!tpu.dma_semaphore, #tpu.memory_space<semaphore_mem>>, %arg23: memref<!tpu.dma_semaphore, #tpu.memory_space<semaphore_mem>>, %arg24: memref<!tpu.dma_semaphore, #tpu.memory_space<semaphore_mem>>, %arg25: memref<!tpu.dma_semaphore, #tpu.memory_space<semaphore_mem>>, %arg26: memref<!tpu.dma_semaphore, #tpu.memory_space<semaphore_mem>>, %arg27: memref<!tpu.dma_semaphore, #tpu.memory_space<semaphore_mem>>, %arg28: memref<!tpu.dma_semaphore, #tpu.memory_space<semaphore_mem>>, %arg29: memref<!tpu.dma_semaphore, #tpu.memory_space<semaphore_mem>>) attributes {dimension_semantics = [#tpu.dimension_semantics<core_parallel>, #tpu.dimension_semantics<subcore_parallel>], iteration_bounds = array<i64: 2, 16>, scalar_prefetch = 0 : i64, scratch_operands = 24 : i64, tpu.core_type = #tpu.core_type<sc_vector_subcore>, window_params = [{transform_indices = #map}, {transform_indices = #map1}, {transform_indices = #map1}, {transform_indices = #map1}]} {
    %mul3A = arith.constant 2 : i32
    %mul3A_0 = arith.muli %arg1, %mul3A : i32
    %add3A = arith.addi %mul3A_0, %arg0 : i32
    %mul3A_1 = arith.constant 102400 : i32
    %mul3A_2 = arith.muli %add3A, %mul3A_1 : i32
    "tpu.region"() ({
      %run_scoped3A = tpu.sem_alloc : memref<!tpu.dma_semaphore, #tpu.memory_space<semaphore_mem>>
      tpu.enqueue_dma source(%arg3 : memref<14x128xf32, #tpu.memory_space<hbm>>) target(%arg6 : memref<14x128xf32, #tpu.memory_space<vmem>>) target_semaphore(%run_scoped3A : memref<!tpu.dma_semaphore, #tpu.memory_space<semaphore_mem>>)
      tpu.wait_dma2 semaphore(%run_scoped3A : memref<!tpu.dma_semaphore, #tpu.memory_space<semaphore_mem>>) src(%arg3 : memref<14x128xf32, #tpu.memory_space<hbm>>) dst(%arg6 : memref<14x128xf32, #tpu.memory_space<vmem>>)
      tpu.yield
    }) : () -> ()
    "tpu.region"() ({
      %run_scoped3A = tpu.sem_alloc : memref<!tpu.dma_semaphore, #tpu.memory_space<semaphore_mem>>
      tpu.enqueue_dma source(%arg4 : memref<5x128xf32, #tpu.memory_space<hbm>>) target(%arg7 : memref<5x128xf32, #tpu.memory_space<vmem>>) target_semaphore(%run_scoped3A : memref<!tpu.dma_semaphore, #tpu.memory_space<semaphore_mem>>)
      tpu.wait_dma2 semaphore(%run_scoped3A : memref<!tpu.dma_semaphore, #tpu.memory_space<semaphore_mem>>) src(%arg4 : memref<5x128xf32, #tpu.memory_space<hbm>>) dst(%arg7 : memref<5x128xf32, #tpu.memory_space<vmem>>)
      tpu.yield
    }) : () -> ()
    %scan3A = arith.constant 0 : i32
    %scan3A_3 = arith.constant 0 : i32
    %scan3A_4 = arith.constant 14 : i32
    %scan3A_5 = arith.addi %scan3A_3, %scan3A_4 : i32
    %scan3A_6 = arith.constant 1 : i32
    %scan3A_7 = scf.for %scan3A_74 = %scan3A_3 to %scan3A_5 step %scan3A_6 iter_args(%scan3A_75 = %scan3A) -> (i32)  : i32 {
      %scan3A_76 = arith.constant 0 : i32
      %scan3A_77 = arith.constant 0 : i32
      %scan3A_78 = arith.constant 5 : i32
      %scan3A_79 = arith.addi %scan3A_77, %scan3A_78 : i32
      %scan3A_80 = arith.constant 1 : i32
      %scan3A_81 = scf.for %scan3A_83 = %scan3A_77 to %scan3A_79 step %scan3A_80 iter_args(%scan3A_84 = %scan3A_76) -> (i32)  : i32 {
        %mul3A_85 = arith.constant 5 : i32
        %mul3A_86 = arith.muli %scan3A_74, %mul3A_85 : i32
        %add3A_87 = arith.addi %mul3A_86, %scan3A_83 : i32
        %get3A = arith.index_cast %scan3A_74 : i32 to index
        %get3A_88 = arith.constant 0 : index
        %get3A_89 = tpu.vector_load %arg6[%get3A, %get3A_88] {strides = array<i32>} : memref<14x128xf32, #tpu.memory_space<vmem>>, vector<1x16xf32>,
        %get3A_90 = vector.shape_cast %get3A_89 : vector<1x16xf32> to vector<16xf32>
        %get3A_91 = arith.index_cast %scan3A_83 : i32 to index
        %get3A_92 = arith.constant 0 : index
        %get3A_93 = tpu.vector_load %arg7[%get3A_91, %get3A_92] {strides = array<i32>} : memref<5x128xf32, #tpu.memory_space<vmem>>, vector<1x16xf32>,
        %get3A_94 = vector.shape_cast %get3A_93 : vector<1x16xf32> to vector<16xf32>
        %add3A_95 = arith.addf %get3A_90, %get3A_94 : vector<16xf32>
        %swap3A = arith.index_cast %add3A_87 : i32 to index
        %swap3A_96 = arith.constant 0 : index
        %swap3A_97 = tpu.vector_load %arg8[%swap3A, %swap3A_96] {strides = array<i32>} : memref<70x128xf32, #tpu.memory_space<vmem>>, vector<1x16xf32>,
        %swap3A_98 = vector.shape_cast %swap3A_97 : vector<1x16xf32> to vector<16xf32>
        %swap3A_99 = vector.shape_cast %add3A_95 : vector<16xf32> to vector<1x16xf32>
        tpu.vector_store %arg8[%swap3A, %swap3A_96], %swap3A_99 {strides = array<i32>} : memref<70x128xf32, #tpu.memory_space<vmem>>, vector<1x16xf32>,
        %get3A_100 = arith.index_cast %scan3A_74 : i32 to index
        %get3A_101 = arith.constant 16 : index
        %get3A_102 = tpu.vector_load %arg6[%get3A_100, %get3A_101] {strides = array<i32>} : memref<14x128xf32, #tpu.memory_space<vmem>>, vector<1x16xf32>,
        %get3A_103 = vector.shape_cast %get3A_102 : vector<1x16xf32> to vector<16xf32>
        %get3A_104 = arith.index_cast %scan3A_83 : i32 to index
        %get3A_105 = arith.constant 16 : index
        %get3A_106 = tpu.vector_load %arg7[%get3A_104, %get3A_105] {strides = array<i32>} : memref<5x128xf32, #tpu.memory_space<vmem>>, vector<1x16xf32>,
        %get3A_107 = vector.shape_cast %get3A_106 : vector<1x16xf32> to vector<16xf32>
        %add3A_108 = arith.addf %get3A_103, %get3A_107 : vector<16xf32>
        %swap3A_109 = arith.index_cast %add3A_87 : i32 to index
        %swap3A_110 = arith.constant 16 : index
        %swap3A_111 = tpu.vector_load %arg8[%swap3A_109, %swap3A_110] {strides = array<i32>} : memref<70x128xf32, #tpu.memory_space<vmem>>, vector<1x16xf32>,
        %swap3A_112 = vector.shape_cast %swap3A_111 : vector<1x16xf32> to vector<16xf32>
        %swap3A_113 = vector.shape_cast %add3A_108 : vector<16xf32> to vector<1x16xf32>
        tpu.vector_store %arg8[%swap3A_109, %swap3A_110], %swap3A_113 {strides = array<i32>} : memref<70x128xf32, #tpu.memory_space<vmem>>, vector<1x16xf32>,
        %get3A_114 = arith.index_cast %scan3A_74 : i32 to index
        %get3A_115 = arith.constant 32 : index
        %get3A_116 = tpu.vector_load %arg6[%get3A_114, %get3A_115] {strides = array<i32>} : memref<14x128xf32, #tpu.memory_space<vmem>>, vector<1x16xf32>,
        %get3A_117 = vector.shape_cast %get3A_116 : vector<1x16xf32> to vector<16xf32>
        %get3A_118 = arith.index_cast %scan3A_83 : i32 to index
        %get3A_119 = arith.constant 32 : index
        %get3A_120 = tpu.vector_load %arg7[%get3A_118, %get3A_119] {strides = array<i32>} : memref<5x128xf32, #tpu.memory_space<vmem>>, vector<1x16xf32>,
        %get3A_121 = vector.shape_cast %get3A_120 : vector<1x16xf32> to vector<16xf32>
        %add3A_122 = arith.addf %get3A_117, %get3A_121 : vector<16xf32>
        %swap3A_123 = arith.index_cast %add3A_87 : i32 to index
        %swap3A_124 = arith.constant 32 : index
        %swap3A_125 = tpu.vector_load %arg8[%swap3A_123, %swap3A_124] {strides = array<i32>} : memref<70x128xf32, #tpu.memory_space<vmem>>, vector<1x16xf32>,
        %swap3A_126 = vector.shape_cast %swap3A_125 : vector<1x16xf32> to vector<16xf32>
        %swap3A_127 = vector.shape_cast %add3A_122 : vector<16xf32> to vector<1x16xf32>
        tpu.vector_store %arg8[%swap3A_123, %swap3A_124], %swap3A_127 {strides = array<i32>} : memref<70x128xf32, #tpu.memory_space<vmem>>, vector<1x16xf32>,
        %get3A_128 = arith.index_cast %scan3A_74 : i32 to index
        %get3A_129 = arith.constant 48 : index
        %get3A_130 = tpu.vector_load %arg6[%get3A_128, %get3A_129] {strides = array<i32>} : memref<14x128xf32, #tpu.memory_space<vmem>>, vector<1x16xf32>,
        %get3A_131 = vector.shape_cast %get3A_130 : vector<1x16xf32> to vector<16xf32>
        %get3A_132 = arith.index_cast %scan3A_83 : i32 to index
        %get3A_133 = arith.constant 48 : index
        %get3A_134 = tpu.vector_load %arg7[%get3A_132, %get3A_133] {strides = array<i32>} : memref<5x128xf32, #tpu.memory_space<vmem>>, vector<1x16xf32>,
        %get3A_135 = vector.shape_cast %get3A_134 : vector<1x16xf32> to vector<16xf32>
        %add3A_136 = arith.addf %get3A_131, %get3A_135 : vector<16xf32>
        %swap3A_137 = arith.index_cast %add3A_87 : i32 to index
        %swap3A_138 = arith.constant 48 : index
        %swap3A_139 = tpu.vector_load %arg8[%swap3A_137, %swap3A_138] {strides = array<i32>} : memref<70x128xf32, #tpu.memory_space<vmem>>, vector<1x16xf32>,
        %swap3A_140 = vector.shape_cast %swap3A_139 : vector<1x16xf32> to vector<16xf32>
        %swap3A_141 = vector.shape_cast %add3A_136 : vector<16xf32> to vector<1x16xf32>
        tpu.vector_store %arg8[%swap3A_137, %swap3A_138], %swap3A_141 {strides = array<i32>} : memref<70x128xf32, #tpu.memory_space<vmem>>, vector<1x16xf32>,
        %get3A_142 = arith.index_cast %scan3A_74 : i32 to index
        %get3A_143 = arith.constant 64 : index
        %get3A_144 = tpu.vector_load %arg6[%get3A_142, %get3A_143] {strides = array<i32>} : memref<14x128xf32, #tpu.memory_space<vmem>>, vector<1x16xf32>,
        %get3A_145 = vector.shape_cast %get3A_144 : vector<1x16xf32> to vector<16xf32>
        %get3A_146 = arith.index_cast %scan3A_83 : i32 to index
        %get3A_147 = arith.constant 64 : index
        %get3A_148 = tpu.vector_load %arg7[%get3A_146, %get3A_147] {strides = array<i32>} : memref<5x128xf32, #tpu.memory_space<vmem>>, vector<1x16xf32>,
        %get3A_149 = vector.shape_cast %get3A_148 : vector<1x16xf32> to vector<16xf32>
        %add3A_150 = arith.addf %get3A_145, %get3A_149 : vector<16xf32>
        %swap3A_151 = arith.index_cast %add3A_87 : i32 to index
        %swap3A_152 = arith.constant 64 : index
        %swap3A_153 = tpu.vector_load %arg8[%swap3A_151, %swap3A_152] {strides = array<i32>} : memref<70x128xf32, #tpu.memory_space<vmem>>, vector<1x16xf32>,
        %swap3A_154 = vector.shape_cast %swap3A_153 : vector<1x16xf32> to vector<16xf32>
        %swap3A_155 = vector.shape_cast %add3A_150 : vector<16xf32> to vector<1x16xf32>
        tpu.vector_store %arg8[%swap3A_151, %swap3A_152], %swap3A_155 {strides = array<i32>} : memref<70x128xf32, #tpu.memory_space<vmem>>, vector<1x16xf32>,
        %get3A_156 = arith.index_cast %scan3A_74 : i32 to index
        %get3A_157 = arith.constant 80 : index
        %get3A_158 = tpu.vector_load %arg6[%get3A_156, %get3A_157] {strides = array<i32>} : memref<14x128xf32, #tpu.memory_space<vmem>>, vector<1x16xf32>,
        %get3A_159 = vector.shape_cast %get3A_158 : vector<1x16xf32> to vector<16xf32>
        %get3A_160 = arith.index_cast %scan3A_83 : i32 to index
        %get3A_161 = arith.constant 80 : index
        %get3A_162 = tpu.vector_load %arg7[%get3A_160, %get3A_161] {strides = array<i32>} : memref<5x128xf32, #tpu.memory_space<vmem>>, vector<1x16xf32>,
        %get3A_163 = vector.shape_cast %get3A_162 : vector<1x16xf32> to vector<16xf32>
        %add3A_164 = arith.addf %get3A_159, %get3A_163 : vector<16xf32>
        %swap3A_165 = arith.index_cast %add3A_87 : i32 to index
        %swap3A_166 = arith.constant 80 : index
        %swap3A_167 = tpu.vector_load %arg8[%swap3A_165, %swap3A_166] {strides = array<i32>} : memref<70x128xf32, #tpu.memory_space<vmem>>, vector<1x16xf32>,
        %swap3A_168 = vector.shape_cast %swap3A_167 : vector<1x16xf32> to vector<16xf32>
        %swap3A_169 = vector.shape_cast %add3A_164 : vector<16xf32> to vector<1x16xf32>
        tpu.vector_store %arg8[%swap3A_165, %swap3A_166], %swap3A_169 {strides = array<i32>} : memref<70x128xf32, #tpu.memory_space<vmem>>, vector<1x16xf32>,
        %get3A_170 = arith.index_cast %scan3A_74 : i32 to index
        %get3A_171 = arith.constant 96 : index
        %get3A_172 = tpu.vector_load %arg6[%get3A_170, %get3A_171] {strides = array<i32>} : memref<14x128xf32, #tpu.memory_space<vmem>>, vector<1x16xf32>,
        %get3A_173 = vector.shape_cast %get3A_172 : vector<1x16xf32> to vector<16xf32>
        %get3A_174 = arith.index_cast %scan3A_83 : i32 to index
        %get3A_175 = arith.constant 96 : index
        %get3A_176 = tpu.vector_load %arg7[%get3A_174, %get3A_175] {strides = array<i32>} : memref<5x128xf32, #tpu.memory_space<vmem>>, vector<1x16xf32>,
        %get3A_177 = vector.shape_cast %get3A_176 : vector<1x16xf32> to vector<16xf32>
        %add3A_178 = arith.addf %get3A_173, %get3A_177 : vector<16xf32>
        %swap3A_179 = arith.index_cast %add3A_87 : i32 to index
        %swap3A_180 = arith.constant 96 : index
        %swap3A_181 = tpu.vector_load %arg8[%swap3A_179, %swap3A_180] {strides = array<i32>} : memref<70x128xf32, #tpu.memory_space<vmem>>, vector<1x16xf32>,
        %swap3A_182 = vector.shape_cast %swap3A_181 : vector<1x16xf32> to vector<16xf32>
        %swap3A_183 = vector.shape_cast %add3A_178 : vector<16xf32> to vector<1x16xf32>
        tpu.vector_store %arg8[%swap3A_179, %swap3A_180], %swap3A_183 {strides = array<i32>} : memref<70x128xf32, #tpu.memory_space<vmem>>, vector<1x16xf32>,
        %get3A_184 = arith.index_cast %scan3A_74 : i32 to index
        %get3A_185 = arith.constant 112 : index
        %get3A_186 = tpu.vector_load %arg6[%get3A_184, %get3A_185] {strides = array<i32>} : memref<14x128xf32, #tpu.memory_space<vmem>>, vector<1x16xf32>,
        %get3A_187 = vector.shape_cast %get3A_186 : vector<1x16xf32> to vector<16xf32>
        %get3A_188 = arith.index_cast %scan3A_83 : i32 to index
        %get3A_189 = arith.constant 112 : index
        %get3A_190 = tpu.vector_load %arg7[%get3A_188, %get3A_189] {strides = array<i32>} : memref<5x128xf32, #tpu.memory_space<vmem>>, vector<1x16xf32>,
        %get3A_191 = vector.shape_cast %get3A_190 : vector<1x16xf32> to vector<16xf32>
        %add3A_192 = arith.addf %get3A_187, %get3A_191 : vector<16xf32>
        %swap3A_193 = arith.index_cast %add3A_87 : i32 to index
        %swap3A_194 = arith.constant 112 : index
        %swap3A_195 = tpu.vector_load %arg8[%swap3A_193, %swap3A_194] {strides = array<i32>} : memref<70x128xf32, #tpu.memory_space<vmem>>, vector<1x16xf32>,
        %swap3A_196 = vector.shape_cast %swap3A_195 : vector<1x16xf32> to vector<16xf32>
        %swap3A_197 = vector.shape_cast %add3A_192 : vector<16xf32> to vector<1x16xf32>
        tpu.vector_store %arg8[%swap3A_193, %swap3A_194], %swap3A_197 {strides = array<i32>} : memref<70x128xf32, #tpu.memory_space<vmem>>, vector<1x16xf32>,
        %scan3A_198 = arith.constant 0 : i32
        scf.yield %scan3A_198 : i32
      }
      %scan3A_82 = arith.constant 5 : i32
      scf.yield %scan3A_81 : i32
    }
    %scan3A_8 = arith.constant 14 : i32
    %eq3A = arith.constant 0 : i32
    %eq3A_9 = arith.cmpi eq, %arg1, %eq3A : i32
    %convert_element_type3A = arith.extui %eq3A_9 : i1 to i32
    %cond3A = arith.constant 0 : i32
    %cond3A_10 = arith.cmpi ne, %convert_element_type3A, %cond3A : i32
    scf.if %cond3A_10 {
      "tpu.region"() ({
        %run_scoped3A = tpu.sem_alloc : memref<!tpu.dma_semaphore, #tpu.memory_space<semaphore_mem>>
        tpu.enqueue_dma source(%arg8 : memref<70x128xf32, #tpu.memory_space<vmem>>) target(%arg9 : memref<70x128xf32, #tpu.memory_space<vmem_shared>>) target_semaphore(%run_scoped3A : memref<!tpu.dma_semaphore, #tpu.memory_space<semaphore_mem>>)
        tpu.wait_dma2 semaphore(%run_scoped3A : memref<!tpu.dma_semaphore, #tpu.memory_space<semaphore_mem>>) src(%arg8 : memref<70x128xf32, #tpu.memory_space<vmem>>) dst(%arg9 : memref<70x128xf32, #tpu.memory_space<vmem_shared>>)
        tpu.yield
      }) : () -> ()
    } else {
    }
    %barrier3A = arith.constant 0 : index
    tpu.barrier barrier_id(%barrier3A)
    %add3A_11 = arith.constant 0 : i32
    %add3A_12 = arith.addi %mul3A_2, %add3A_11 : i32
    %dma_start3A = tpu.memref_slice %arg2[%add3A_12] : memref<3276800xi32, #tpu.memory_space<hbm>> -> memref<128xi32, #tpu.memory_space<hbm>>
    %dma_start3A_13 = tpu.memref_slice %arg2[%add3A_12] : memref<3276800xi32, #tpu.memory_space<hbm>> -> memref<128xi32, #tpu.memory_space<hbm>>
    tpu.enqueue_dma source(%dma_start3A_13 : memref<128xi32, #tpu.memory_space<hbm>>) target(%arg10 : memref<128xi32, #tpu.memory_space<vmem>>) target_semaphore(%arg18 : memref<!tpu.dma_semaphore, #tpu.memory_space<semaphore_mem>>)
    %add3A_14 = arith.constant 128 : i32
    %add3A_15 = arith.addi %mul3A_2, %add3A_14 : i32
    %dma_start3A_16 = tpu.memref_slice %arg2[%add3A_15] : memref<3276800xi32, #tpu.memory_space<hbm>> -> memref<128xi32, #tpu.memory_space<hbm>>
    %dma_start3A_17 = tpu.memref_slice %arg2[%add3A_15] : memref<3276800xi32, #tpu.memory_space<hbm>> -> memref<128xi32, #tpu.memory_space<hbm>>
    tpu.enqueue_dma source(%dma_start3A_17 : memref<128xi32, #tpu.memory_space<hbm>>) target(%arg11 : memref<128xi32, #tpu.memory_space<vmem>>) target_semaphore(%arg19 : memref<!tpu.dma_semaphore, #tpu.memory_space<semaphore_mem>>)
    %scan3A_18 = arith.constant 0 : i32
    %scan3A_19 = arith.constant 0 : i32
    %scan3A_20 = arith.constant 200 : i32
    %scan3A_21 = arith.addi %scan3A_19, %scan3A_20 : i32
    %scan3A_22 = arith.constant 1 : i32
    %scan3A_23 = scf.for %scan3A_74 = %scan3A_19 to %scan3A_21 step %scan3A_22 iter_args(%scan3A_75 = %scan3A_18) -> (i32)  : i32 {
      %mul3A_76 = arith.constant 4 : i32
      %mul3A_77 = arith.muli %scan3A_74, %mul3A_76 : i32
      %add3A_78 = arith.constant 0 : i32
      %add3A_79 = arith.addi %mul3A_77, %add3A_78 : i32
      %mul3A_80 = arith.constant 128 : i32
      %mul3A_81 = arith.muli %add3A_79, %mul3A_80 : i32
      %add3A_82 = arith.addi %mul3A_2, %mul3A_81 : i32
      %dma_wait3A_83 = tpu.memref_slice %arg2[%add3A_82] : memref<3276800xi32, #tpu.memory_space<hbm>> -> memref<128xi32, #tpu.memory_space<hbm>>
      %dma_wait3A_84 = tpu.memref_slice %arg2[%add3A_82] : memref<3276800xi32, #tpu.memory_space<hbm>> -> memref<128xi32, #tpu.memory_space<hbm>>
      tpu.wait_dma2 semaphore(%arg18 : memref<!tpu.dma_semaphore, #tpu.memory_space<semaphore_mem>>) src(%dma_wait3A_84 : memref<128xi32, #tpu.memory_space<hbm>>) dst(%arg10 : memref<128xi32, #tpu.memory_space<vmem>>)
      %ge3A = arith.constant 4 : i32
      %ge3A_85 = arith.cmpi sge, %add3A_79, %ge3A : i32
      %convert_element_type3A_86 = arith.extui %ge3A_85 : i1 to i32
      %cond3A_87 = arith.constant 0 : i32
      %cond3A_88 = arith.cmpi ne, %convert_element_type3A_86, %cond3A_87 : i32
      scf.if %cond3A_88 {
        %sub3A = arith.constant 4 : i32
        %sub3A_199 = arith.subi %add3A_79, %sub3A : i32
        %mul3A_200 = arith.constant 128 : i32
        %mul3A_201 = arith.muli %sub3A_199, %mul3A_200 : i32
        %add3A_202 = arith.addi %mul3A_2, %mul3A_201 : i32
        %dma_wait3A_203 = arith.constant 0 : i32
        %dma_wait3A_204 = tpu.memref_slice %arg5[%add3A_202, %dma_wait3A_203] : memref<3276800x128xf32, #tpu.memory_space<hbm>> -> memref<128x128xf32, #tpu.memory_space<hbm>>
        %dma_wait3A_205 = arith.constant 0 : i32
        %dma_wait3A_206 = tpu.memref_slice %arg5[%add3A_202, %dma_wait3A_205] : memref<3276800x128xf32, #tpu.memory_space<hbm>> -> memref<128x128xf32, #tpu.memory_space<hbm>>
        tpu.wait_dma2 semaphore(%arg26 : memref<!tpu.dma_semaphore, #tpu.memory_space<semaphore_mem>>) src(%arg14 : memref<128x128xf32, #tpu.memory_space<vmem>>) dst(%dma_wait3A_206 : memref<128x128xf32, #tpu.memory_space<hbm>>)
      } else {
      }
      %dma_start3A_89 = arith.constant 0 : i32
      %dma_start3A_90 = arith.constant 0 : i32
      %dma_start3A_91 = tpu.memref_slice %arg9[%dma_start3A_89, %dma_start3A_90] : memref<70x128xf32, #tpu.memory_space<vmem_shared>> -> memref<70x128xf32, #tpu.memory_space<vmem_shared>>
      tpu.enqueue_indirect_dma source(%dma_start3A_91 : memref<70x128xf32, #tpu.memory_space<vmem_shared>>) target(%arg14 : memref<128x128xf32, #tpu.memory_space<vmem>>) offsets(%arg10 : memref<128xi32, #tpu.memory_space<vmem>>) semaphore(%arg22 : memref<!tpu.dma_semaphore, #tpu.memory_space<semaphore_mem>>)
      %ge3A_92 = arith.constant 2 : i32
      %ge3A_93 = arith.cmpi sge, %add3A_79, %ge3A_92 : i32
      %convert_element_type3A_94 = arith.extui %ge3A_93 : i1 to i32
      %cond3A_95 = arith.constant 0 : i32
      %cond3A_96 = arith.cmpi ne, %convert_element_type3A_94, %cond3A_95 : i32
      scf.if %cond3A_96 {
        %dma_wait3A_199 = arith.constant 0 : i32
        %dma_wait3A_200 = arith.constant 0 : i32
        %dma_wait3A_201 = tpu.memref_slice %arg9[%dma_wait3A_199, %dma_wait3A_200] : memref<70x128xf32, #tpu.memory_space<vmem_shared>> -> memref<70x128xf32, #tpu.memory_space<vmem_shared>>
        tpu.wait_indirect_dma semaphore(%arg24 : memref<!tpu.dma_semaphore, #tpu.memory_space<semaphore_mem>>) src(%dma_wait3A_201 : memref<70x128xf32, #tpu.memory_space<vmem_shared>>) dst(%arg16 : memref<128x128xf32, #tpu.memory_space<vmem>>)
        %sub3A = arith.constant 2 : i32
        %sub3A_202 = arith.subi %add3A_79, %sub3A : i32
        %mul3A_203 = arith.constant 128 : i32
        %mul3A_204 = arith.muli %sub3A_202, %mul3A_203 : i32
        %add3A_205 = arith.addi %mul3A_2, %mul3A_204 : i32
        %dma_start3A_206 = arith.constant 0 : i32
        %dma_start3A_207 = tpu.memref_slice %arg5[%add3A_205, %dma_start3A_206] : memref<3276800x128xf32, #tpu.memory_space<hbm>> -> memref<128x128xf32, #tpu.memory_space<hbm>>
        %dma_start3A_208 = arith.constant 0 : i32
        %dma_start3A_209 = tpu.memref_slice %arg5[%add3A_205, %dma_start3A_208] : memref<3276800x128xf32, #tpu.memory_space<hbm>> -> memref<128x128xf32, #tpu.memory_space<hbm>>
        tpu.enqueue_dma source(%arg16 : memref<128x128xf32, #tpu.memory_space<vmem>>) target(%dma_start3A_209 : memref<128x128xf32, #tpu.memory_space<hbm>>) target_semaphore(%arg28 : memref<!tpu.dma_semaphore, #tpu.memory_space<semaphore_mem>>)
      } else {
      }
      %add3A_97 = arith.constant 2 : i32
      %add3A_98 = arith.addi %add3A_79, %add3A_97 : i32
      %rem3A = arith.constant 800 : i32
      %rem3A_99 = arith.remsi %add3A_98, %rem3A : i32
      %mul3A_100 = arith.constant 128 : i32
      %mul3A_101 = arith.muli %rem3A_99, %mul3A_100 : i32
      %add3A_102 = arith.addi %mul3A_2, %mul3A_101 : i32
      %dma_start3A_103 = tpu.memref_slice %arg2[%add3A_102] : memref<3276800xi32, #tpu.memory_space<hbm>> -> memref<128xi32, #tpu.memory_space<hbm>>
      %dma_start3A_104 = tpu.memref_slice %arg2[%add3A_102] : memref<3276800xi32, #tpu.memory_space<hbm>> -> memref<128xi32, #tpu.memory_space<hbm>>
      tpu.enqueue_dma source(%dma_start3A_104 : memref<128xi32, #tpu.memory_space<hbm>>) target(%arg12 : memref<128xi32, #tpu.memory_space<vmem>>) target_semaphore(%arg20 : memref<!tpu.dma_semaphore, #tpu.memory_space<semaphore_mem>>)
      %mul3A_105 = arith.constant 4 : i32
      %mul3A_106 = arith.muli %scan3A_74, %mul3A_105 : i32
      %add3A_107 = arith.constant 1 : i32
      %add3A_108 = arith.addi %mul3A_106, %add3A_107 : i32
      %mul3A_109 = arith.constant 128 : i32
      %mul3A_110 = arith.muli %add3A_108, %mul3A_109 : i32
      %add3A_111 = arith.addi %mul3A_2, %mul3A_110 : i32
      %dma_wait3A_112 = tpu.memref_slice %arg2[%add3A_111] : memref<3276800xi32, #tpu.memory_space<hbm>> -> memref<128xi32, #tpu.memory_space<hbm>>
      %dma_wait3A_113 = tpu.memref_slice %arg2[%add3A_111] : memref<3276800xi32, #tpu.memory_space<hbm>> -> memref<128xi32, #tpu.memory_space<hbm>>
      tpu.wait_dma2 semaphore(%arg19 : memref<!tpu.dma_semaphore, #tpu.memory_space<semaphore_mem>>) src(%dma_wait3A_113 : memref<128xi32, #tpu.memory_space<hbm>>) dst(%arg11 : memref<128xi32, #tpu.memory_space<vmem>>)
      %ge3A_114 = arith.constant 4 : i32
      %ge3A_115 = arith.cmpi sge, %add3A_108, %ge3A_114 : i32
      %convert_element_type3A_116 = arith.extui %ge3A_115 : i1 to i32
      %cond3A_117 = arith.constant 0 : i32
      %cond3A_118 = arith.cmpi ne, %convert_element_type3A_116, %cond3A_117 : i32
      scf.if %cond3A_118 {
        %sub3A = arith.constant 4 : i32
        %sub3A_199 = arith.subi %add3A_108, %sub3A : i32
        %mul3A_200 = arith.constant 128 : i32
        %mul3A_201 = arith.muli %sub3A_199, %mul3A_200 : i32
        %add3A_202 = arith.addi %mul3A_2, %mul3A_201 : i32
        %dma_wait3A_203 = arith.constant 0 : i32
        %dma_wait3A_204 = tpu.memref_slice %arg5[%add3A_202, %dma_wait3A_203] : memref<3276800x128xf32, #tpu.memory_space<hbm>> -> memref<128x128xf32, #tpu.memory_space<hbm>>
        %dma_wait3A_205 = arith.constant 0 : i32
        %dma_wait3A_206 = tpu.memref_slice %arg5[%add3A_202, %dma_wait3A_205] : memref<3276800x128xf32, #tpu.memory_space<hbm>> -> memref<128x128xf32, #tpu.memory_space<hbm>>
        tpu.wait_dma2 semaphore(%arg27 : memref<!tpu.dma_semaphore, #tpu.memory_space<semaphore_mem>>) src(%arg15 : memref<128x128xf32, #tpu.memory_space<vmem>>) dst(%dma_wait3A_206 : memref<128x128xf32, #tpu.memory_space<hbm>>)
      } else {
      }
      %dma_start3A_119 = arith.constant 0 : i32
      %dma_start3A_120 = arith.constant 0 : i32
      %dma_start3A_121 = tpu.memref_slice %arg9[%dma_start3A_119, %dma_start3A_120] : memref<70x128xf32, #tpu.memory_space<vmem_shared>> -> memref<70x128xf32, #tpu.memory_space<vmem_shared>>
      tpu.enqueue_indirect_dma source(%dma_start3A_121 : memref<70x128xf32, #tpu.memory_space<vmem_shared>>) target(%arg15 : memref<128x128xf32, #tpu.memory_space<vmem>>) offsets(%arg11 : memref<128xi32, #tpu.memory_space<vmem>>) semaphore(%arg23 : memref<!tpu.dma_semaphore, #tpu.memory_space<semaphore_mem>>)
      %ge3A_122 = arith.constant 2 : i32
      %ge3A_123 = arith.cmpi sge, %add3A_108, %ge3A_122 : i32
      %convert_element_type3A_124 = arith.extui %ge3A_123 : i1 to i32
      %cond3A_125 = arith.constant 0 : i32
      %cond3A_126 = arith.cmpi ne, %convert_element_type3A_124, %cond3A_125 : i32
      scf.if %cond3A_126 {
        %dma_wait3A_199 = arith.constant 0 : i32
        %dma_wait3A_200 = arith.constant 0 : i32
        %dma_wait3A_201 = tpu.memref_slice %arg9[%dma_wait3A_199, %dma_wait3A_200] : memref<70x128xf32, #tpu.memory_space<vmem_shared>> -> memref<70x128xf32, #tpu.memory_space<vmem_shared>>
        tpu.wait_indirect_dma semaphore(%arg25 : memref<!tpu.dma_semaphore, #tpu.memory_space<semaphore_mem>>) src(%dma_wait3A_201 : memref<70x128xf32, #tpu.memory_space<vmem_shared>>) dst(%arg17 : memref<128x128xf32, #tpu.memory_space<vmem>>)
        %sub3A = arith.constant 2 : i32
        %sub3A_202 = arith.subi %add3A_108, %sub3A : i32
        %mul3A_203 = arith.constant 128 : i32
        %mul3A_204 = arith.muli %sub3A_202, %mul3A_203 : i32
        %add3A_205 = arith.addi %mul3A_2, %mul3A_204 : i32
        %dma_start3A_206 = arith.constant 0 : i32
        %dma_start3A_207 = tpu.memref_slice %arg5[%add3A_205, %dma_start3A_206] : memref<3276800x128xf32, #tpu.memory_space<hbm>> -> memref<128x128xf32, #tpu.memory_space<hbm>>
        %dma_start3A_208 = arith.constant 0 : i32
        %dma_start3A_209 = tpu.memref_slice %arg5[%add3A_205, %dma_start3A_208] : memref<3276800x128xf32, #tpu.memory_space<hbm>> -> memref<128x128xf32, #tpu.memory_space<hbm>>
        tpu.enqueue_dma source(%arg17 : memref<128x128xf32, #tpu.memory_space<vmem>>) target(%dma_start3A_209 : memref<128x128xf32, #tpu.memory_space<hbm>>) target_semaphore(%arg29 : memref<!tpu.dma_semaphore, #tpu.memory_space<semaphore_mem>>)
      } else {
      }
      %add3A_127 = arith.constant 2 : i32
      %add3A_128 = arith.addi %add3A_108, %add3A_127 : i32
      %rem3A_129 = arith.constant 800 : i32
      %rem3A_130 = arith.remsi %add3A_128, %rem3A_129 : i32
      %mul3A_131 = arith.constant 128 : i32
      %mul3A_132 = arith.muli %rem3A_130, %mul3A_131 : i32
      %add3A_133 = arith.addi %mul3A_2, %mul3A_132 : i32
      %dma_start3A_134 = tpu.memref_slice %arg2[%add3A_133] : memref<3276800xi32, #tpu.memory_space<hbm>> -> memref<128xi32, #tpu.memory_space<hbm>>
      %dma_start3A_135 = tpu.memref_slice %arg2[%add3A_133] : memref<3276800xi32, #tpu.memory_space<hbm>> -> memref<128xi32, #tpu.memory_space<hbm>>
      tpu.enqueue_dma source(%dma_start3A_135 : memref<128xi32, #tpu.memory_space<hbm>>) target(%arg13 : memref<128xi32, #tpu.memory_space<vmem>>) target_semaphore(%arg21 : memref<!tpu.dma_semaphore, #tpu.memory_space<semaphore_mem>>)
      %mul3A_136 = arith.constant 4 : i32
      %mul3A_137 = arith.muli %scan3A_74, %mul3A_136 : i32
      %add3A_138 = arith.constant 2 : i32
      %add3A_139 = arith.addi %mul3A_137, %add3A_138 : i32
      %mul3A_140 = arith.constant 128 : i32
      %mul3A_141 = arith.muli %add3A_139, %mul3A_140 : i32
      %add3A_142 = arith.addi %mul3A_2, %mul3A_141 : i32
      %dma_wait3A_143 = tpu.memref_slice %arg2[%add3A_142] : memref<3276800xi32, #tpu.memory_space<hbm>> -> memref<128xi32, #tpu.memory_space<hbm>>
      %dma_wait3A_144 = tpu.memref_slice %arg2[%add3A_142] : memref<3276800xi32, #tpu.memory_space<hbm>> -> memref<128xi32, #tpu.memory_space<hbm>>
      tpu.wait_dma2 semaphore(%arg20 : memref<!tpu.dma_semaphore, #tpu.memory_space<semaphore_mem>>) src(%dma_wait3A_144 : memref<128xi32, #tpu.memory_space<hbm>>) dst(%arg12 : memref<128xi32, #tpu.memory_space<vmem>>)
      %ge3A_145 = arith.constant 4 : i32
      %ge3A_146 = arith.cmpi sge, %add3A_139, %ge3A_145 : i32
      %convert_element_type3A_147 = arith.extui %ge3A_146 : i1 to i32
      %cond3A_148 = arith.constant 0 : i32
      %cond3A_149 = arith.cmpi ne, %convert_element_type3A_147, %cond3A_148 : i32
      scf.if %cond3A_149 {
        %sub3A = arith.constant 4 : i32
        %sub3A_199 = arith.subi %add3A_139, %sub3A : i32
        %mul3A_200 = arith.constant 128 : i32
        %mul3A_201 = arith.muli %sub3A_199, %mul3A_200 : i32
        %add3A_202 = arith.addi %mul3A_2, %mul3A_201 : i32
        %dma_wait3A_203 = arith.constant 0 : i32
        %dma_wait3A_204 = tpu.memref_slice %arg5[%add3A_202, %dma_wait3A_203] : memref<3276800x128xf32, #tpu.memory_space<hbm>> -> memref<128x128xf32, #tpu.memory_space<hbm>>
        %dma_wait3A_205 = arith.constant 0 : i32
        %dma_wait3A_206 = tpu.memref_slice %arg5[%add3A_202, %dma_wait3A_205] : memref<3276800x128xf32, #tpu.memory_space<hbm>> -> memref<128x128xf32, #tpu.memory_space<hbm>>
        tpu.wait_dma2 semaphore(%arg28 : memref<!tpu.dma_semaphore, #tpu.memory_space<semaphore_mem>>) src(%arg16 : memref<128x128xf32, #tpu.memory_space<vmem>>) dst(%dma_wait3A_206 : memref<128x128xf32, #tpu.memory_space<hbm>>)
      } else {
      }
      %dma_start3A_150 = arith.constant 0 : i32
      %dma_start3A_151 = arith.constant 0 : i32
      %dma_start3A_152 = tpu.memref_slice %arg9[%dma_start3A_150, %dma_start3A_151] : memref<70x128xf32, #tpu.memory_space<vmem_shared>> -> memref<70x128xf32, #tpu.memory_space<vmem_shared>>
      tpu.enqueue_indirect_dma source(%dma_start3A_152 : memref<70x128xf32, #tpu.memory_space<vmem_shared>>) target(%arg16 : memref<128x128xf32, #tpu.memory_space<vmem>>) offsets(%arg12 : memref<128xi32, #tpu.memory_space<vmem>>) semaphore(%arg24 : memref<!tpu.dma_semaphore, #tpu.memory_space<semaphore_mem>>)
      %ge3A_153 = arith.constant 2 : i32
      %ge3A_154 = arith.cmpi sge, %add3A_139, %ge3A_153 : i32
      %convert_element_type3A_155 = arith.extui %ge3A_154 : i1 to i32
      %cond3A_156 = arith.constant 0 : i32
      %cond3A_157 = arith.cmpi ne, %convert_element_type3A_155, %cond3A_156 : i32
      scf.if %cond3A_157 {
        %dma_wait3A_199 = arith.constant 0 : i32
        %dma_wait3A_200 = arith.constant 0 : i32
        %dma_wait3A_201 = tpu.memref_slice %arg9[%dma_wait3A_199, %dma_wait3A_200] : memref<70x128xf32, #tpu.memory_space<vmem_shared>> -> memref<70x128xf32, #tpu.memory_space<vmem_shared>>
        tpu.wait_indirect_dma semaphore(%arg22 : memref<!tpu.dma_semaphore, #tpu.memory_space<semaphore_mem>>) src(%dma_wait3A_201 : memref<70x128xf32, #tpu.memory_space<vmem_shared>>) dst(%arg14 : memref<128x128xf32, #tpu.memory_space<vmem>>)
        %sub3A = arith.constant 2 : i32
        %sub3A_202 = arith.subi %add3A_139, %sub3A : i32
        %mul3A_203 = arith.constant 128 : i32
        %mul3A_204 = arith.muli %sub3A_202, %mul3A_203 : i32
        %add3A_205 = arith.addi %mul3A_2, %mul3A_204 : i32
        %dma_start3A_206 = arith.constant 0 : i32
        %dma_start3A_207 = tpu.memref_slice %arg5[%add3A_205, %dma_start3A_206] : memref<3276800x128xf32, #tpu.memory_space<hbm>> -> memref<128x128xf32, #tpu.memory_space<hbm>>
        %dma_start3A_208 = arith.constant 0 : i32
        %dma_start3A_209 = tpu.memref_slice %arg5[%add3A_205, %dma_start3A_208] : memref<3276800x128xf32, #tpu.memory_space<hbm>> -> memref<128x128xf32, #tpu.memory_space<hbm>>
        tpu.enqueue_dma source(%arg14 : memref<128x128xf32, #tpu.memory_space<vmem>>) target(%dma_start3A_209 : memref<128x128xf32, #tpu.memory_space<hbm>>) target_semaphore(%arg26 : memref<!tpu.dma_semaphore, #tpu.memory_space<semaphore_mem>>)
      } else {
      }
      %add3A_158 = arith.constant 2 : i32
      %add3A_159 = arith.addi %add3A_139, %add3A_158 : i32
      %rem3A_160 = arith.constant 800 : i32
      %rem3A_161 = arith.remsi %add3A_159, %rem3A_160 : i32
      %mul3A_162 = arith.constant 128 : i32
      %mul3A_163 = arith.muli %rem3A_161, %mul3A_162 : i32
      %add3A_164 = arith.addi %mul3A_2, %mul3A_163 : i32
      %dma_start3A_165 = tpu.memref_slice %arg2[%add3A_164] : memref<3276800xi32, #tpu.memory_space<hbm>> -> memref<128xi32, #tpu.memory_space<hbm>>
      %dma_start3A_166 = tpu.memref_slice %arg2[%add3A_164] : memref<3276800xi32, #tpu.memory_space<hbm>> -> memref<128xi32, #tpu.memory_space<hbm>>
      tpu.enqueue_dma source(%dma_start3A_166 : memref<128xi32, #tpu.memory_space<hbm>>) target(%arg10 : memref<128xi32, #tpu.memory_space<vmem>>) target_semaphore(%arg18 : memref<!tpu.dma_semaphore, #tpu.memory_space<semaphore_mem>>)
      %mul3A_167 = arith.constant 4 : i32
      %mul3A_168 = arith.muli %scan3A_74, %mul3A_167 : i32
      %add3A_169 = arith.constant 3 : i32
      %add3A_170 = arith.addi %mul3A_168, %add3A_169 : i32
      %mul3A_171 = arith.constant 128 : i32
      %mul3A_172 = arith.muli %add3A_170, %mul3A_171 : i32
      %add3A_173 = arith.addi %mul3A_2, %mul3A_172 : i32
      %dma_wait3A_174 = tpu.memref_slice %arg2[%add3A_173] : memref<3276800xi32, #tpu.memory_space<hbm>> -> memref<128xi32, #tpu.memory_space<hbm>>
      %dma_wait3A_175 = tpu.memref_slice %arg2[%add3A_173] : memref<3276800xi32, #tpu.memory_space<hbm>> -> memref<128xi32, #tpu.memory_space<hbm>>
      tpu.wait_dma2 semaphore(%arg21 : memref<!tpu.dma_semaphore, #tpu.memory_space<semaphore_mem>>) src(%dma_wait3A_175 : memref<128xi32, #tpu.memory_space<hbm>>) dst(%arg13 : memref<128xi32, #tpu.memory_space<vmem>>)
      %ge3A_176 = arith.constant 4 : i32
      %ge3A_177 = arith.cmpi sge, %add3A_170, %ge3A_176 : i32
      %convert_element_type3A_178 = arith.extui %ge3A_177 : i1 to i32
      %cond3A_179 = arith.constant 0 : i32
      %cond3A_180 = arith.cmpi ne, %convert_element_type3A_178, %cond3A_179 : i32
      scf.if %cond3A_180 {
        %sub3A = arith.constant 4 : i32
        %sub3A_199 = arith.subi %add3A_170, %sub3A : i32
        %mul3A_200 = arith.constant 128 : i32
        %mul3A_201 = arith.muli %sub3A_199, %mul3A_200 : i32
        %add3A_202 = arith.addi %mul3A_2, %mul3A_201 : i32
        %dma_wait3A_203 = arith.constant 0 : i32
        %dma_wait3A_204 = tpu.memref_slice %arg5[%add3A_202, %dma_wait3A_203] : memref<3276800x128xf32, #tpu.memory_space<hbm>> -> memref<128x128xf32, #tpu.memory_space<hbm>>
        %dma_wait3A_205 = arith.constant 0 : i32
        %dma_wait3A_206 = tpu.memref_slice %arg5[%add3A_202, %dma_wait3A_205] : memref<3276800x128xf32, #tpu.memory_space<hbm>> -> memref<128x128xf32, #tpu.memory_space<hbm>>
        tpu.wait_dma2 semaphore(%arg29 : memref<!tpu.dma_semaphore, #tpu.memory_space<semaphore_mem>>) src(%arg17 : memref<128x128xf32, #tpu.memory_space<vmem>>) dst(%dma_wait3A_206 : memref<128x128xf32, #tpu.memory_space<hbm>>)
      } else {
      }
      %dma_start3A_181 = arith.constant 0 : i32
      %dma_start3A_182 = arith.constant 0 : i32
      %dma_start3A_183 = tpu.memref_slice %arg9[%dma_start3A_181, %dma_start3A_182] : memref<70x128xf32, #tpu.memory_space<vmem_shared>> -> memref<70x128xf32, #tpu.memory_space<vmem_shared>>
      tpu.enqueue_indirect_dma source(%dma_start3A_183 : memref<70x128xf32, #tpu.memory_space<vmem_shared>>) target(%arg17 : memref<128x128xf32, #tpu.memory_space<vmem>>) offsets(%arg13 : memref<128xi32, #tpu.memory_space<vmem>>) semaphore(%arg25 : memref<!tpu.dma_semaphore, #tpu.memory_space<semaphore_mem>>)
      %ge3A_184 = arith.constant 2 : i32
      %ge3A_185 = arith.cmpi sge, %add3A_170, %ge3A_184 : i32
      %convert_element_type3A_186 = arith.extui %ge3A_185 : i1 to i32
      %cond3A_187 = arith.constant 0 : i32
      %cond3A_188 = arith.cmpi ne, %convert_element_type3A_186, %cond3A_187 : i32
      scf.if %cond3A_188 {
        %dma_wait3A_199 = arith.constant 0 : i32
        %dma_wait3A_200 = arith.constant 0 : i32
        %dma_wait3A_201 = tpu.memref_slice %arg9[%dma_wait3A_199, %dma_wait3A_200] : memref<70x128xf32, #tpu.memory_space<vmem_shared>> -> memref<70x128xf32, #tpu.memory_space<vmem_shared>>
        tpu.wait_indirect_dma semaphore(%arg23 : memref<!tpu.dma_semaphore, #tpu.memory_space<semaphore_mem>>) src(%dma_wait3A_201 : memref<70x128xf32, #tpu.memory_space<vmem_shared>>) dst(%arg15 : memref<128x128xf32, #tpu.memory_space<vmem>>)
        %sub3A = arith.constant 2 : i32
        %sub3A_202 = arith.subi %add3A_170, %sub3A : i32
        %mul3A_203 = arith.constant 128 : i32
        %mul3A_204 = arith.muli %sub3A_202, %mul3A_203 : i32
        %add3A_205 = arith.addi %mul3A_2, %mul3A_204 : i32
        %dma_start3A_206 = arith.constant 0 : i32
        %dma_start3A_207 = tpu.memref_slice %arg5[%add3A_205, %dma_start3A_206] : memref<3276800x128xf32, #tpu.memory_space<hbm>> -> memref<128x128xf32, #tpu.memory_space<hbm>>
        %dma_start3A_208 = arith.constant 0 : i32
        %dma_start3A_209 = tpu.memref_slice %arg5[%add3A_205, %dma_start3A_208] : memref<3276800x128xf32, #tpu.memory_space<hbm>> -> memref<128x128xf32, #tpu.memory_space<hbm>>
        tpu.enqueue_dma source(%arg15 : memref<128x128xf32, #tpu.memory_space<vmem>>) target(%dma_start3A_209 : memref<128x128xf32, #tpu.memory_space<hbm>>) target_semaphore(%arg27 : memref<!tpu.dma_semaphore, #tpu.memory_space<semaphore_mem>>)
      } else {
      }
      %add3A_189 = arith.constant 2 : i32
      %add3A_190 = arith.addi %add3A_170, %add3A_189 : i32
      %rem3A_191 = arith.constant 800 : i32
      %rem3A_192 = arith.remsi %add3A_190, %rem3A_191 : i32
      %mul3A_193 = arith.constant 128 : i32
      %mul3A_194 = arith.muli %rem3A_192, %mul3A_193 : i32
      %add3A_195 = arith.addi %mul3A_2, %mul3A_194 : i32
      %dma_start3A_196 = tpu.memref_slice %arg2[%add3A_195] : memref<3276800xi32, #tpu.memory_space<hbm>> -> memref<128xi32, #tpu.memory_space<hbm>>
      %dma_start3A_197 = tpu.memref_slice %arg2[%add3A_195] : memref<3276800xi32, #tpu.memory_space<hbm>> -> memref<128xi32, #tpu.memory_space<hbm>>
      tpu.enqueue_dma source(%dma_start3A_197 : memref<128xi32, #tpu.memory_space<hbm>>) target(%arg11 : memref<128xi32, #tpu.memory_space<vmem>>) target_semaphore(%arg19 : memref<!tpu.dma_semaphore, #tpu.memory_space<semaphore_mem>>)
      %scan3A_198 = arith.constant 0 : i32
      scf.yield %scan3A_198 : i32
    }
    %scan3A_24 = arith.constant 200 : i32
    %dma_wait3A = arith.constant 0 : i32
    %dma_wait3A_25 = arith.constant 0 : i32
    %dma_wait3A_26 = tpu.memref_slice %arg9[%dma_wait3A, %dma_wait3A_25] : memref<70x128xf32, #tpu.memory_space<vmem_shared>> -> memref<70x128xf32, #tpu.memory_space<vmem_shared>>
    tpu.wait_indirect_dma semaphore(%arg24 : memref<!tpu.dma_semaphore, #tpu.memory_space<semaphore_mem>>) src(%dma_wait3A_26 : memref<70x128xf32, #tpu.memory_space<vmem_shared>>) dst(%arg16 : memref<128x128xf32, #tpu.memory_space<vmem>>)
    %add3A_27 = arith.constant 102144 : i32
    %add3A_28 = arith.addi %mul3A_2, %add3A_27 : i32
    %dma_start3A_29 = arith.constant 0 : i32
    %dma_start3A_30 = tpu.memref_slice %arg5[%add3A_28, %dma_start3A_29] : memref<3276800x128xf32, #tpu.memory_space<hbm>> -> memref<128x128xf32, #tpu.memory_space<hbm>>
    %dma_start3A_31 = arith.constant 0 : i32
    %dma_start3A_32 = tpu.memref_slice %arg5[%add3A_28, %dma_start3A_31] : memref<3276800x128xf32, #tpu.memory_space<hbm>> -> memref<128x128xf32, #tpu.memory_space<hbm>>
    tpu.enqueue_dma source(%arg16 : memref<128x128xf32, #tpu.memory_space<vmem>>) target(%dma_start3A_32 : memref<128x128xf32, #tpu.memory_space<hbm>>) target_semaphore(%arg28 : memref<!tpu.dma_semaphore, #tpu.memory_space<semaphore_mem>>)
    %dma_wait3A_33 = arith.constant 0 : i32
    %dma_wait3A_34 = arith.constant 0 : i32
    %dma_wait3A_35 = tpu.memref_slice %arg9[%dma_wait3A_33, %dma_wait3A_34] : memref<70x128xf32, #tpu.memory_space<vmem_shared>> -> memref<70x128xf32, #tpu.memory_space<vmem_shared>>
    tpu.wait_indirect_dma semaphore(%arg25 : memref<!tpu.dma_semaphore, #tpu.memory_space<semaphore_mem>>) src(%dma_wait3A_35 : memref<70x128xf32, #tpu.memory_space<vmem_shared>>) dst(%arg17 : memref<128x128xf32, #tpu.memory_space<vmem>>)
    %add3A_36 = arith.constant 102272 : i32
    %add3A_37 = arith.addi %mul3A_2, %add3A_36 : i32
    %dma_start3A_38 = arith.constant 0 : i32
    %dma_start3A_39 = tpu.memref_slice %arg5[%add3A_37, %dma_start3A_38] : memref<3276800x128xf32, #tpu.memory_space<hbm>> -> memref<128x128xf32, #tpu.memory_space<hbm>>
    %dma_start3A_40 = arith.constant 0 : i32
    %dma_start3A_41 = tpu.memref_slice %arg5[%add3A_37, %dma_start3A_40] : memref<3276800x128xf32, #tpu.memory_space<hbm>> -> memref<128x128xf32, #tpu.memory_space<hbm>>
    tpu.enqueue_dma source(%arg17 : memref<128x128xf32, #tpu.memory_space<vmem>>) target(%dma_start3A_41 : memref<128x128xf32, #tpu.memory_space<hbm>>) target_semaphore(%arg29 : memref<!tpu.dma_semaphore, #tpu.memory_space<semaphore_mem>>)
    %add3A_42 = arith.constant 101888 : i32
    %add3A_43 = arith.addi %mul3A_2, %add3A_42 : i32
    %dma_wait3A_44 = arith.constant 0 : i32
    %dma_wait3A_45 = tpu.memref_slice %arg5[%add3A_43, %dma_wait3A_44] : memref<3276800x128xf32, #tpu.memory_space<hbm>> -> memref<128x128xf32, #tpu.memory_space<hbm>>
    %dma_wait3A_46 = arith.constant 0 : i32
    %dma_wait3A_47 = tpu.memref_slice %arg5[%add3A_43, %dma_wait3A_46] : memref<3276800x128xf32, #tpu.memory_space<hbm>> -> memref<128x128xf32, #tpu.memory_space<hbm>>
    tpu.wait_dma2 semaphore(%arg26 : memref<!tpu.dma_semaphore, #tpu.memory_space<semaphore_mem>>) src(%arg14 : memref<128x128xf32, #tpu.memory_space<vmem>>) dst(%dma_wait3A_47 : memref<128x128xf32, #tpu.memory_space<hbm>>)
    %add3A_48 = arith.constant 102016 : i32
    %add3A_49 = arith.addi %mul3A_2, %add3A_48 : i32
    %dma_wait3A_50 = arith.constant 0 : i32
    %dma_wait3A_51 = tpu.memref_slice %arg5[%add3A_49, %dma_wait3A_50] : memref<3276800x128xf32, #tpu.memory_space<hbm>> -> memref<128x128xf32, #tpu.memory_space<hbm>>
    %dma_wait3A_52 = arith.constant 0 : i32
    %dma_wait3A_53 = tpu.memref_slice %arg5[%add3A_49, %dma_wait3A_52] : memref<3276800x128xf32, #tpu.memory_space<hbm>> -> memref<128x128xf32, #tpu.memory_space<hbm>>
    tpu.wait_dma2 semaphore(%arg27 : memref<!tpu.dma_semaphore, #tpu.memory_space<semaphore_mem>>) src(%arg15 : memref<128x128xf32, #tpu.memory_space<vmem>>) dst(%dma_wait3A_53 : memref<128x128xf32, #tpu.memory_space<hbm>>)
    %add3A_54 = arith.constant 102144 : i32
    %add3A_55 = arith.addi %mul3A_2, %add3A_54 : i32
    %dma_wait3A_56 = arith.constant 0 : i32
    %dma_wait3A_57 = tpu.memref_slice %arg5[%add3A_55, %dma_wait3A_56] : memref<3276800x128xf32, #tpu.memory_space<hbm>> -> memref<128x128xf32, #tpu.memory_space<hbm>>
    %dma_wait3A_58 = arith.constant 0 : i32
    %dma_wait3A_59 = tpu.memref_slice %arg5[%add3A_55, %dma_wait3A_58] : memref<3276800x128xf32, #tpu.memory_space<hbm>> -> memref<128x128xf32, #tpu.memory_space<hbm>>
    tpu.wait_dma2 semaphore(%arg28 : memref<!tpu.dma_semaphore, #tpu.memory_space<semaphore_mem>>) src(%arg16 : memref<128x128xf32, #tpu.memory_space<vmem>>) dst(%dma_wait3A_59 : memref<128x128xf32, #tpu.memory_space<hbm>>)
    %add3A_60 = arith.constant 102272 : i32
    %add3A_61 = arith.addi %mul3A_2, %add3A_60 : i32
    %dma_wait3A_62 = arith.constant 0 : i32
    %dma_wait3A_63 = tpu.memref_slice %arg5[%add3A_61, %dma_wait3A_62] : memref<3276800x128xf32, #tpu.memory_space<hbm>> -> memref<128x128xf32, #tpu.memory_space<hbm>>
    %dma_wait3A_64 = arith.constant 0 : i32
    %dma_wait3A_65 = tpu.memref_slice %arg5[%add3A_61, %dma_wait3A_64] : memref<3276800x128xf32, #tpu.memory_space<hbm>> -> memref<128x128xf32, #tpu.memory_space<hbm>>
    tpu.wait_dma2 semaphore(%arg29 : memref<!tpu.dma_semaphore, #tpu.memory_space<semaphore_mem>>) src(%arg17 : memref<128x128xf32, #tpu.memory_space<vmem>>) dst(%dma_wait3A_65 : memref<128x128xf32, #tpu.memory_space<hbm>>)
    %add3A_66 = arith.constant 0 : i32
    %add3A_67 = arith.addi %mul3A_2, %add3A_66 : i32
    %dma_wait3A_68 = tpu.memref_slice %arg2[%add3A_67] : memref<3276800xi32, #tpu.memory_space<hbm>> -> memref<128xi32, #tpu.memory_space<hbm>>
    %dma_wait3A_69 = tpu.memref_slice %arg2[%add3A_67] : memref<3276800xi32, #tpu.memory_space<hbm>> -> memref<128xi32, #tpu.memory_space<hbm>>
    tpu.wait_dma2 semaphore(%arg18 : memref<!tpu.dma_semaphore, #tpu.memory_space<semaphore_mem>>) src(%dma_wait3A_69 : memref<128xi32, #tpu.memory_space<hbm>>) dst(%arg10 : memref<128xi32, #tpu.memory_space<vmem>>)
    %add3A_70 = arith.constant 128 : i32
    %add3A_71 = arith.addi %mul3A_2, %add3A_70 : i32
    %dma_wait3A_72 = tpu.memref_slice %arg2[%add3A_71] : memref<3276800xi32, #tpu.memory_space<hbm>> -> memref<128xi32, #tpu.memory_space<hbm>>
    %dma_wait3A_73 = tpu.memref_slice %arg2[%add3A_71] : memref<3276800xi32, #tpu.memory_space<hbm>> -> memref<128xi32, #tpu.memory_space<hbm>>
    tpu.wait_dma2 semaphore(%arg19 : memref<!tpu.dma_semaphore, #tpu.memory_space<semaphore_mem>>) src(%dma_wait3A_73 : memref<128xi32, #tpu.memory_space<hbm>>) dst(%arg11 : memref<128xi32, #tpu.memory_space<vmem>>)
    return
  }
}

</mosaic_0001>

<sc_bundles>
// kernel: _run.3.cloned.1.call-start
scs
__scs_entry_jumppad:
0x0: {  	(pc) =	sbr.rel $0x88, $3  }
0x1: {  	(tag) =	ssettag $0x0;
	lr =	simm.s32 $0x1  }
0x2: {  	[smem:$0x3F9E] =	sst lr;
	_ =	strace $0xD0000000  }
0x3: {  	_ = 	snop  }
0x4: {  	_ = 	snop  }
0x5: {  	_ = 	snop  }
0x6: {  	_ = 	snop  }
0x7: {  	_ = 	snop  }
__scs_overlays_trampoline_lowered:
0x8: {  	[smem:$0x3FAD] =	sst s0  }
0x9: {  	[smem:$0x3FAE] =	sst s1  }
0xa: {  	[smem:$0x3FAF] =	sst s2  }
0xb: {  	[smem:$0x3FB0] =	sst s3  }
0xc: {  	[smem:$0x3FB1] =	sst s4  }
0xd: {  	[smem:$0x3FB2] =	sst s5  }
0xe: {  	[smem:$0x3FB3] =	sst s6  }
0xf: {  	[smem:$0x3FB4] =	sst s7  }
0x10: {  	[smem:$0x3FB5] =	sst s8  }
0x11: {  	[smem:$0x3FB6] =	sst s9;
	s0 =	simm.s32 @!p0 $0x0  }
0x12: {  	s1 =	sld [smem:$0x3F9C];
	s0 =	simm.s32 @p0 $0x1  }
0x13: {  	[smem:$0x3FB7] =	sst s0;
	s0 =	simm.s32 @!p1 $0x0  }
0x14: {  	s2 =	sld [smem:$0x3F9B];
	s0 =	simm.s32 @p1 $0x1  }
0x15: {  	[smem:$0x3FB8] =	sst s0;
	s0 =	simm.s32 @!p2 $0x0  }
0x16: {  	s3 =	sld [smem:$0x3FDB];
	s0 =	simm.s32 @p2 $0x1  }
0x17: {  	s4 =	simm.s32 $0x1BF5;
	[smem:$0x3FBA] =	sst s0  }
0x18: {  	s0 =	sld [smem:$0x3F9D];
	_ =	swait.ge [sflag:s4], $0x0  }
0x19: {  	s7 =	sld [smem:$0x3F9E]  }
0x1a: {  	s8 =	sadd.s32 $0xFFFFE003, lr  }
0x1b: {  	s9 =	sadd.s32 $0xFFFFFEF7, lr;
	s5 =	simm.s32 $0xFFFFFFFF;
	p2 =	slt.u32 s8, $0xFFFFF086  }
0x1c: {  	p1 =	slt.u32 s9, $0xF7A;
	s5 =	simm.s32 @!p2 $0x0  }
0x1d: {  	s5 =	simm.s32 @p1 $0x1;
	p0 =	seq.s32 s7, s2  }
0x1e: {  	s7 =	smul.u32 @!p0 $0xF7A, s2;
	p2 =	seq.s32 @!p0 s5, $0x0  }
0x1f: {  	s9 =	smul.u32 $0xF7A, s1;
	s8 =	simm.s32 @!p0 $0x1BF5;
	p2 =	por !p2, p0  }
0x20: {  	[sflag:s8] =	ssyncset.s32 @!p0 $0xFFFFF086;
	s6 =	sadd.s32 @!p0 s3, s7;
	s7 =	simm.s32 @!p0 $0x108  }
0x21: {  	s3 =	sadd.s32 s3, s9;
	s6 =	sadd.s32 @!p0 $0x88, s6;
	s7 =	simm.s32 @p2 $0x1082  }
0x22: {  	[simem:s7], [sflag:s8] =	dma.local @!p0 [hbm:s6], $0xF7A  }
0x23: {  	s9 =	sor.u32 $0xD0000000, s2;
	s6 =	simm.s32 $0x108;
	_ =	swait.ge @!p0 [sflag:s8], $0x0  }
0x24: {  	s3 =	sadd.s32 $0x88, s3;
	s6 =	simm.s32 @!p1 $0x1082;
	[sflag:s4] =	ssyncset.s32 $0xFFFFF086  }
0x25: {  	[simem:s6], [sflag:s4] =	dma.local [hbm:s3], $0xF7A  }
0x26: {  	[smem:$0x3F9E] =	sst s1;
	(tag) =	ssettag s2;
	_ =	strace s9  }
0x27: {  	s1 =	sld [smem:$0x3FAE]  }
0x28: {  	s2 =	sld [smem:$0x3FAF]  }
0x29: {  	s4 =	sld [smem:$0x3FB1]  }
0x2a: {  	p0 =	seq.s32 s5, $0x0;
	s5 =	sld [smem:$0x3FB2]  }
0x2b: {  	s6 =	sld [smem:$0x3FB3]  }
0x2c: {  	s7 =	sld [smem:$0x3FB4]  }
0x2d: {  	s3 =	simm.s32 $0x108;
	s8 =	sld [smem:$0x3FB5]  }
0x2e: {  	s3 =	simm.s32 @!p0 $0x1082;
	s9 =	sld [smem:$0x3FB6]  }
0x2f: {  	lr =	sadd.s32 s0, s3;
	s0 =	sld [smem:$0x3FAD]  }
0x30: {  	s3 =	sld [smem:$0x3FB0]  }
0x31: {  	[smem:$0x3FB9] =	sst s10  }
0x32: {  	s10 =	sld [smem:$0x3FB7];
	_ =	sdelay $0x3  }
0x33: {  	p0 =	seq.s32 s10, $0x1;
	s10 =	sld [smem:$0x3FB9];
	_ =	sdelay $0x3  }
0x34: {  	[smem:$0x3FB9] =	sst s10  }
0x35: {  	s10 =	sld [smem:$0x3FB8];
	_ =	sdelay $0x3  }
0x36: {  	p1 =	seq.s32 s10, $0x1;
	s10 =	sld [smem:$0x3FB9];
	_ =	sdelay $0x3  }
0x37: {  	[smem:$0x3FB9] =	sst s10  }
0x38: {  	s10 =	sld [smem:$0x3FBA]  }
0x39: {  	_ = 	snop;
	(pc) =	sbr.ind lr, $3  }
0x3a: {  	_ = 	snop  }
0x3b: {  	_ = 	snop  }
0x3c: {  	p2 =	seq.s32 s10, $0x1;
	s10 =	sld [smem:$0x3FB9]  }
0x3d: {  	_ =	shalt  }
0x3e: {  	_ =	shalt  }
0x3f: {  	_ =	shalt  }
0x40: {  	_ =	shalt  }
0x41: {  	_ =	shalt  }
0x42: {  	_ =	shalt  }
0x43: {  	_ =	shalt  }
0x44: {  	_ =	shalt  }
0x45: {  	_ =	shalt  }
0x46: {  	_ =	shalt  }
0x47: {  	_ =	shalt  }
0x48: {  	_ =	shalt  }
0x49: {  	_ =	shalt  }
0x4a: {  	_ =	shalt  }
0x4b: {  	_ =	shalt  }
0x4c: {  	_ =	shalt  }
0x4d: {  	_ =	shalt  }
0x4e: {  	_ =	shalt  }
0x4f: {  	_ =	shalt  }
0x50: {  	_ =	shalt  }
0x51: {  	_ =	shalt  }
0x52: {  	_ =	shalt  }
0x53: {  	_ =	shalt  }
0x54: {  	_ =	shalt  }
0x55: {  	_ =	shalt  }
0x56: {  	_ =	shalt  }
0x57: {  	_ =	shalt  }
0x58: {  	_ =	shalt  }
0x59: {  	_ =	shalt  }
0x5a: {  	_ =	shalt  }
0x5b: {  	_ =	shalt  }
0x5c: {  	_ =	shalt  }
0x5d: {  	_ =	shalt  }
0x5e: {  	_ =	shalt  }
0x5f: {  	_ =	shalt  }
0x60: {  	_ =	shalt  }
0x61: {  	_ =	shalt  }
0x62: {  	_ =	shalt  }
0x63: {  	_ =	shalt  }
0x64: {  	_ =	shalt  }
0x65: {  	_ =	shalt  }
0x66: {  	_ =	shalt  }
0x67: {  	_ =	shalt  }
0x68: {  	_ =	shalt  }
0x69: {  	_ =	shalt  }
0x6a: {  	_ =	shalt  }
0x6b: {  	_ =	shalt  }
0x6c: {  	_ =	shalt  }
0x6d: {  	_ =	shalt  }
0x6e: {  	_ =	shalt  }
0x6f: {  	_ =	shalt  }
0x70: {  	_ =	shalt  }
0x71: {  	_ =	shalt  }
0x72: {  	_ =	shalt  }
0x73: {  	_ =	shalt  }
0x74: {  	_ =	shalt  }
0x75: {  	_ =	shalt  }
0x76: {  	_ =	shalt  }
0x77: {  	_ =	shalt  }
0x78: {  	_ =	shalt  }
0x79: {  	_ =	shalt  }
0x7a: {  	_ =	shalt  }
0x7b: {  	_ =	shalt  }
0x7c: {  	_ =	shalt  }
0x7d: {  	_ =	shalt  }
0x7e: {  	_ =	shalt  }
0x7f: {  	_ =	shalt  }
0x80: {  	_ =	shalt  }
0x81: {  	_ =	shalt  }
0x82: {  	_ =	shalt  }
0x83: {  	_ =	shalt  }
0x84: {  	_ =	shalt  }
0x85: {  	_ =	shalt  }
0x86: {  	_ =	shalt  }
0x87: {  	_ =	shalt  }
.Lfunc_end0:
.L_simem_size_0:
called_computation_lowered:
.L_overlay_start_0:
0x88: {  	s2 =	sld [smem:$0x3FD9]  }
0x89: {  	s3 =	sld [smem:$0x3FFE];
	_ =	sdelay $0x1  }
0x8a: {  	s1 =	srdreg.scid  }
0x8b: {  	s0 =	sand.u32 $0x1, s1  }
0x8c: {  	s18 =	sshll.u32 s0, $0xA;
	s2 =	sadd.s32 s3, s2  }
0x8d: {  	s2 =	sadd.s32 s2, s18  }
0x8e: {  	[smem:$0x3FC5] =	sst s2  }
0x8f: {  	_ = 	snop  }
0x90: {  	s2 =	sld [smem:$0x3FC9]  }
0x91: {  	s19 =	sld [smem:$0x3FC8]  }
0x92: {  	s4 =	sld [smem:$0x3FC7]  }
0x93: {  	s5 =	sld [smem:$0x3FD0];
	(tm) =	ssettm $0x1  }
0x94: {  	s6 =	sld [smem:$0x3FFB];
	_ =	sdelay $0x3  }
0x95: {  	_ =	strace s6  }
0x96: {  	s6 =	sld [smem:$0x3FFC];
	_ =	sdelay $0x3  }
0x97: {  	_ =	strace s6  }
0x98: {  	s6 =	sld [smem:$0x3FFD];
	_ =	sdelay $0x3  }
0x99: {  	_ =	strace s6  }
0x9a: {  	_ =	strace $0x8FFFFFFF  }
0x9b: {  	s20 =	sld [smem:$0x3FDB];
	_ =	sdelay $0x1  }
0x9c: {  	s7 =	simm.s32 $_scs_section_size  }
0x9d: {  	s8 =	simm.s32 $_size__tile_overlayer_lowered;
	s9 =	simm.s32 $_tile_overlayer_lowered  }
0x9e: {  	s23 =	simm.s32 $0x1BFF;
	s22 =	sshll.u32 s9, $0x1;
	s6 =	sadd.s32 s7, s20  }
0x9f: {  	s10 =	simm.s32 $0x0;
	s21 =	sshll.u32 s8, $0x1;
	s8 =	sadd.s32 s22, s6  }
0xa0: {  	[timem:s10], [sflag:s23] =	dma.local [hbm:s8], s21  }
0xa1: {  	_ =	swait.ge [sflag:s23], s21  }
0xa2: {  	s7 =	ssub.s32 $0x0, s21;
	[sflag:s23] =	ssyncset.done $0x0  }
0xa3: {  	[sflag:s23] =	ssyncadd.s32 s7;
	_ =	sdelay $0x1  }
0xa4: {  	s24 =	simm.s32 $0x1B8B  }
0xa5: {  	_ =	swait.ge [sflag:s24], $0x1  }
0xa6: {  	[sflag:s24] =	ssyncset.done $0x0  }
0xa7: {  	s25 =	simm.s32 $0x1B8E;
	[sflag:s24] =	ssyncadd.s32 $0xFFFFFFFF  }
0xa8: {  	s26 =	simm.s32 $execute0_lowered;
	[smem:$0x3FD2] =	sst s25  }
0xa9: {  	s7 =	sshll.u32 s26, $0x1;
	_ =	strace $0x80000046;
	[dreg:$0x1] =	wrdreg $0xFFFFFFFF  }
0xaa: {  	s28 =	simm.s32 $_size_execute0_lowered;
	s6 =	sadd.s32 s6, s7;
	[dreg:$0x0] =	wrdreg $0x0  }
0xab: {  	s7 =	sshll.u32 s28, $0x1;
	[dreg:$0x2] =	wrdreg s6  }
0xac: {  	[dreg:$0x3] =	wrdreg s7  }
0xad: {  	[dreg:$0x4] =	wrdreg $0xC0  }
0xae: {  	_ =	task [dreg:s10], $0x5FFFF  }
0xaf: {  	[dreg:$0x1] =	wrdreg $0xFFFFFFFF  }
0xb0: {  	[dreg:$0x0] =	wrdreg $0x60  }
0xb1: {  	[dreg:$0x2] =	wrdreg s2  }
0xb2: {  	[dreg:$0x3] =	wrdreg s19  }
0xb3: {  	[dreg:$0x4] =	wrdreg s4  }
0xb4: {  	[dreg:$0x5] =	wrdreg s5  }
0xb5: {  	[dreg:$0x6] =	wrdreg $0x30000  }
0xb6: {  	[dreg:$0x7] =	wrdreg $0x9  }
0xb7: {  	_ =	task.clear_ibuf [dreg:s10], $0x8FFFF;
	_ =	strace $0x90000046  }
0xb8: {  	s29 =	simm.s32 $0x9;
	_ =	strace $0x80000048  }
0xb9: {  	_ =	swait.ge [sflag:s29], $0x1  }
0xba: {  	[sflag:s29] =	ssyncadd.s32 $0xFFFFFFFF  }
0xbb: {  	_ =	strace $0x90000048  }
0xbc: {  	_ =	sfence  }
0xbd: {  	s30 =	sld [smem:$0x0];
	_ =	sdelay $0x2  }
0xbe: {  	s31 =	sshll.u32 s1, $0xD;
	s1 =	sshrl.u32 s1, $0x2  }
0xbf: {  	s3 =	sand.u32 $0x4000, s31;
	s1 =	sadd.s32 s1, s30  }
0xc0: {  	s0 =	sor.u32 s3, s0;
	s1 =	sshll.u32 s1, $0x11  }
0xc1: {  	s0 =	sor.u32 s1, s0  }
0xc2: {  	s0 =	sadd.s32 $0x8F2B, s0  }
0xc3: {  	[sflag:s0] =	ssyncadd.remote.s32 $0x1  }
0xc4: {  	_ =	sfence.sel $0xFFFF  }
0xc5: {  	[dreg:$0x0] =	wrdreg $0xFFFFFFFF;
	(pc) =	sbr.abs _section_cstart, $3  }
0xc6: {  	[dreg:$0x1] =	wrdreg $0xFFFFFFFF  }
0xc7: {  	_ =	task.clear_ibuf [dreg:s10], $0x2FFFF;
	_ =	strace $0x9FFFFFFF  }
0xc8: {  	(tm) =	ssettm $0x7FFFFFFF  }
0xc9: {  	_ =	shalt  }
tec
execute0_lowered:
.L_overlay_start_1:
0x0: {  	(tag) =	ssettag $0x1  }
0x1: {  	s0 =	rddreg [dreg:$0x0]  }
0x2: {  	s1 =	srdreg.scid;
	s7 =	rddreg [dreg:$0x3]  }
0x3: {  	s2 =	stileid.u32;
	s4 =	rddreg [dreg:$0x4];
	s6 =	simm.s32 $0x0  }
0x4: {  	s17 =	simm.s32 $0x3230;
	s26 =	simm.s32 $0x3430;
	s31 =	simm.s32 $0x7430  }
0x5: {  	s28 =	simm.s32 $0x4;
	s29 =	simm.s32 $0xF430;
	s9 =	smul.u32 $0x320000, s2  }
0x6: {  	s30 =	simm.s32 $0x6;
	s1 =	sand.u32 $0x1, s1;
	s18 =	smul.u32 $0x1900000, s2  }
0x7: {  	s3 =	sshll.u32 s2, $0x1;
	[smem:$0x7FF] =	sst s6;
	s14 =	smul.u32 $0x32000, s2  }
0x8: {  	p0 =	sne.s32 s2, $0x0;
	s2 =	simm.s32 $0x0;
	s11 =	smul.u32 $0x190000, s1  }
0x9: {  	s3 =	sor.u32 s1, s3;
	s8 =	ssub.s32 $0x2, s1;
	s13 =	smul.u32 $0xC80000, s1  }
0xa: {  	_ =	strace $0x80000047;
	s1 =	smul.u32 $0x19000, s1;
	[dreg:$0x7] =	wrdreg s26  }
0xb: {  	[dreg:$0x8] =	wrdreg s31;
	s26 =	simm.s32 $0x5;
	s5 =	smul.u32 $0x19000, s3  }
0xc: {  	s3 =	smul.u32 $0xC80000, s3;
	s10 =	sshrl.u32 s8, $0x1;
	s21 =	sadd.s32 s9, s7  }
0xd: {  	s8 =	ssub.s32 s8, s10;
	s22 =	sadd.s32 s13, s18;
	s1 =	sadd.s32 s1, s14  }
0xe: {  	s18 =	simm.s32 $0x32B0;
	s12 =	sshrl.u32 s5, $0x3;
	s3 =	sshrl.u32 s3, $0x3  }
0xf: {  	s20 =	smax.u32 s8, $0x1;
	s23 =	sor.u32 $0x180, s1;
	s1 =	sor.u32 $0x100, s1  }
0x10: {  	s12 =	sadd.s32 s0, s12;
	s3 =	sadd.s32 s7, s3;
	[dreg:$0xd] =	wrdreg s20  }
0x11: {  	s24 =	sshrl.u32 s23, $0x3;
	[dreg:$0x9] =	wrdreg s12;
	s12 =	sadd.s32 $0x10, s12  }
0x12: {  	s1 =	sshrl.u32 s1, $0x3;
	s19 =	sadd.s32 $0x18F000, s3;
	[dreg:$0xa] =	wrdreg s12  }
0x13: {  	s20 =	simm.s32 $0x3330;
	s3 =	sadd.s32 $0x18F800, s3;
	[dreg:$0xb] =	wrdreg s19  }
0x14: {  	s23 =	simm.s32 $0x3;
	s25 =	sadd.s32 s24, s0;
	[dreg:$0xc] =	wrdreg s3  }
0x15: {  	s1 =	sadd.s32 s1, s0;
	s24 =	simm.s32 $0x80;
	[dreg:$0xe] =	wrdreg s25  }
0x16: {  	s12 =	sadd.s32 s11, s21;
	s3 =	sshrl.u32 s22, $0x3;
	[dreg:$0xf] =	wrdreg s1  }
0x17: {  	s19 =	simm.s32 $0x1;
	s21 =	simm.s32 $0x2;
	s3 =	sadd.s32 s3, s7  }
0x18: {  	s22 =	simm.s32 $0x33B0;
	s25 =	simm.s32 $0xB430;
	[dreg:$0x6] =	wrdreg s3  }
.LBB2_1:
0x19: {  	[dreg:$0x10] =	wrdreg s2  }
0x1a: {  	s1 =	rddreg [dreg:$0x1];
	s16 =	simm.s32 $0xD  }
0x1b: {  	[tilespmem:s6], [sflag:$0xD] =	stream.linear.gather [hbm4b:s1+s6], $0x700, $0x38;
	[tilespmem:$0x13430] =	vst v63  }
0x1c: {  	_ =	swait.ge [sflag:s16], $0x700  }
0x1d: {  	[sflag:s16] =	ssyncset.done $0x0  }
0x1e: {  	[sflag:s16] =	ssyncadd.s32 $0xFFFFF900  }
0x1f: {  	s3 =	simm.s32 $0x800;
	s31 =	rddreg [dreg:$0x2]  }
0x20: {  	[tilespmem:s3], [sflag:$0xD] =	stream.linear.gather [hbm4b:s31+s6], $0x280, $0x38;
	[tilespmem:$0x13430] =	vst v63  }
0x21: {  	_ =	swait.ge [sflag:s16], $0x280  }
0x22: {  	[sflag:s16] =	ssyncset.done $0x0  }
0x23: {  	s7 =	simm.s32 $0xC40;
	s10 =	simm.s32 $0x0;
	[sflag:s16] =	ssyncadd.s32 $0xFFFFFD80  }
.LBB2_2:
0x24: {  	s1 =	sshll.u32 s10, $0x7;
	s11 =	simm.s32 $0x0  }
0x25: {  	s13 =	sand.u32 $0x3FFFFF80, s1;
	v2 =	vld [tilespmem:s11+$0x800]  }
0x26: {  	v1 =	vld [tilespmem:s13+$0x0];
	_ =	sdelay $0x1  }
0x27: {  	v0 =	vmov s7;
	_ =	sdelay $0x2  }
0x28: {  	v1 =	vadd.f32 v2, v1;
	_ =	sdelay $0x1  }
0x29: {  	[tilespmem:v0+s11+$0xFFFFFFC0 ss:$0x1] =	vst.idx.msk $0xffff, v1  }
0x2a: {  	v1 =	vld [tilespmem:s13+$0x10]  }
0x2b: {  	v2 =	vld [tilespmem:s11+$0x810];
	_ =	sdelay $0x4  }
0x2c: {  	v1 =	vadd.f32 v2, v1;
	_ =	sdelay $0x1  }
0x2d: {  	[tilespmem:v0+s11+$0xFFFFFFD0 ss:$0x1] =	vst.idx.msk $0xffff, v1  }
0x2e: {  	v1 =	vld [tilespmem:s13+$0x20]  }
0x2f: {  	v2 =	vld [tilespmem:s11+$0x820];
	_ =	sdelay $0x4  }
0x30: {  	v1 =	vadd.f32 v2, v1;
	_ =	sdelay $0x1  }
0x31: {  	[tilespmem:v0+s11+$0xFFFFFFE0 ss:$0x1] =	vst.idx.msk $0xffff, v1  }
0x32: {  	v1 =	vld [tilespmem:s13+$0x30]  }
0x33: {  	v2 =	vld [tilespmem:s11+$0x830];
	_ =	sdelay $0x4  }
0x34: {  	v1 =	vadd.f32 v2, v1;
	_ =	sdelay $0x1  }
0x35: {  	[tilespmem:v0+s11+$0xFFFFFFF0 ss:$0x1] =	vst.idx.msk $0xffff, v1  }
0x36: {  	v1 =	vld [tilespmem:s13+$0x40]  }
0x37: {  	v2 =	vld [tilespmem:s11+$0x840];
	_ =	sdelay $0x4  }
0x38: {  	v1 =	vadd.f32 v2, v1;
	_ =	sdelay $0x1  }
0x39: {  	[tilespmem:v0+s11+$0x0 ss:$0x1] =	vst.idx.msk $0xffff, v1  }
0x3a: {  	v1 =	vld [tilespmem:s13+$0x50]  }
0x3b: {  	v2 =	vld [tilespmem:s11+$0x850];
	_ =	sdelay $0x4  }
0x3c: {  	v1 =	vadd.f32 v2, v1;
	_ =	sdelay $0x1  }
0x3d: {  	[tilespmem:v0+s11+$0x10 ss:$0x1] =	vst.idx.msk $0xffff, v1  }
0x3e: {  	v1 =	vld [tilespmem:s13+$0x60]  }
0x3f: {  	v2 =	vld [tilespmem:s11+$0x860];
	_ =	sdelay $0x4  }
0x40: {  	v1 =	vadd.f32 v2, v1;
	_ =	sdelay $0x1  }
0x41: {  	[tilespmem:v0+s11+$0x20 ss:$0x1] =	vst.idx.msk $0xffff, v1  }
0x42: {  	s3 =	simm.s32 $0x200;
	v1 =	vld [tilespmem:s13+$0x70]  }
.LBB2_3:
0x43: {  	p1 =	sne.s32 s3, $0x800;
	v2 =	vld [tilespmem:s11+$0x870];
	s1 =	smov.u32 s3;
	s3 =	sadd.s32 $0x200, s3  }
0x44: {  	_ =	sdelay $0x3  }
0x45: {  	v1 =	vadd.f32 v2, v1;
	_ =	sdelay $0x1  }
0x46: {  	[tilespmem:v0+s11+$0x30 ss:$0x1] =	vst.idx.msk $0xffff, v1  }
0x47: {  	s11 =	sshra.s32 s1, $0x2;
	v1 =	vld [tilespmem:s13+$0x0]  }
0x48: {  	v2 =	vld [tilespmem:s11+$0x800];
	_ =	sdelay $0x4  }
0x49: {  	v1 =	vadd.f32 v2, v1;
	_ =	sdelay $0x1  }
0x4a: {  	[tilespmem:v0+s11+$0xFFFFFFC0 ss:$0x1] =	vst.idx.msk $0xffff, v1  }
0x4b: {  	v1 =	vld [tilespmem:s13+$0x10]  }
0x4c: {  	v2 =	vld [tilespmem:s11+$0x810];
	_ =	sdelay $0x4  }
0x4d: {  	v1 =	vadd.f32 v2, v1;
	_ =	sdelay $0x1  }
0x4e: {  	[tilespmem:v0+s11+$0xFFFFFFD0 ss:$0x1] =	vst.idx.msk $0xffff, v1  }
0x4f: {  	v1 =	vld [tilespmem:s13+$0x20]  }
0x50: {  	v2 =	vld [tilespmem:s11+$0x820];
	_ =	sdelay $0x4  }
0x51: {  	v1 =	vadd.f32 v2, v1;
	_ =	sdelay $0x1  }
0x52: {  	[tilespmem:v0+s11+$0xFFFFFFE0 ss:$0x1] =	vst.idx.msk $0xffff, v1  }
0x53: {  	v1 =	vld [tilespmem:s13+$0x30]  }
0x54: {  	v2 =	vld [tilespmem:s11+$0x830];
	_ =	sdelay $0x4  }
0x55: {  	v1 =	vadd.f32 v2, v1;
	_ =	sdelay $0x1  }
0x56: {  	[tilespmem:v0+s11+$0xFFFFFFF0 ss:$0x1] =	vst.idx.msk $0xffff, v1  }
0x57: {  	v1 =	vld [tilespmem:s13+$0x40]  }
0x58: {  	v2 =	vld [tilespmem:s11+$0x840];
	_ =	sdelay $0x4  }
0x59: {  	v1 =	vadd.f32 v2, v1;
	_ =	sdelay $0x1  }
0x5a: {  	[tilespmem:v0+s11+$0x0 ss:$0x1] =	vst.idx.msk $0xffff, v1  }
0x5b: {  	v1 =	vld [tilespmem:s13+$0x50]  }
0x5c: {  	v2 =	vld [tilespmem:s11+$0x850];
	_ =	sdelay $0x4  }
0x5d: {  	v1 =	vadd.f32 v2, v1;
	_ =	sdelay $0x1  }
0x5e: {  	[tilespmem:v0+s11+$0x10 ss:$0x1] =	vst.idx.msk $0xffff, v1  }
0x5f: {  	v1 =	vld [tilespmem:s13+$0x60]  }
0x60: {  	v2 =	vld [tilespmem:s11+$0x860];
	_ =	sdelay $0x3  }
.Ltmp0:
0x61: {  	(pc) =	sbr.rel @p1 .LBB2_3-.Ltmp0, $3  }
0x62: {  	v1 =	vadd.f32 v2, v1;
	_ =	sdelay $0x1  }
0x63: {  	[tilespmem:v0+s11+$0x20 ss:$0x1] =	vst.idx.msk $0xffff, v1  }
0x64: {  	v1 =	vld [tilespmem:s13+$0x70]  }
0x65: {  	v2 =	vld [tilespmem:s11+$0x870]  }
0x66: {  	s10 =	sadd.s32 $0x1, s10  }
0x67: {  	p1 =	sne.s32 s10, $0xE  }
.Ltmp1:
0x68: {  	_ = 	snop;
	(pc) =	sbr.rel @p1 .LBB2_2-.Ltmp1, $3  }
0x69: {  	_ = 	snop  }
0x6a: {  	v1 =	vadd.f32 v2, v1;
	_ =	sdelay $0x1  }
0x6b: {  	s7 =	sadd.s32 $0x280, s7;
	[tilespmem:v0+s11+$0x30 ss:$0x1] =	vst.idx.msk $0xffff, v1  }
0x6c: {  	s1 =	simm.s32 @!p0 $0xC00  }
0x6d: {  	[spmem:s4] =	stream.linear.scatter @!p0 [tilespmem:s1], [sflag:$0xD], $0x2300, $0x38;
	[tilespmem:$0x13430] =	vst v63  }
0x6e: {  	s1 =	simm.s32 @!p0 $0xD  }
0x6f: {  	_ =	swait.ge @!p0 [sflag:s1], $0x2300  }
0x70: {  	[sflag:s1] =	ssyncset.done @!p0 $0x0  }
0x71: {  	[sflag:s1] =	ssyncadd.s32 @!p0 $0xFFFFDD00  }
0x72: {  	[bflag:$0x0] =	sbarrier.arrive $0xFFFF  }
0x73: {  	s7 =	simm.s32 $0x0;
	s2 =	rddreg [dreg:$0x9]  }
0x74: {  	[tilespmem:s17], [sflag:$0x1] =	stream.linear.gather [hbm4b:s2+s7], $0x80, $0x38;
	[tilespmem:$0x13430] =	vst v63  }
0x75: {  	s8 =	rddreg [dreg:$0xa]  }
0x76: {  	[tilespmem:s18], [sflag:$0x2] =	stream.linear.gather [hbm4b:s8+s7], $0x80, $0x38;
	[tilespmem:$0x13430] =	vst v63  }
0x77: {  	_ =	swait.ge [sflag:s19], $0x80  }
0x78: {  	p1 =	por $0x0, $0x0;
	[sflag:s19] =	ssyncset.done $0x0  }
0x79: {  	s1 =	simm.s32 @p1 $0x9;
	[sflag:s19] =	ssyncadd.s32 $0xFFFFFF80  }
0x7a: {  	_ =	swait.ge @p1 [sflag:s1], $0x4000  }
0x7b: {  	s3 =	simm.s32 @p1 $0x3430;
	s10 =	simm.s32 @p1 $0x80;
	[sflag:s1] =	ssyncset.done @p1 $0x0  }
0x7c: {  	s11 =	simm.s32 @p1 $0x3230;
	s7 =	simm.s32 @p1 $0x7;
	[sflag:s1] =	ssyncadd.s32 @p1 $0xFFFFC000  }
0x7d: {  	[tilespmem:s3], [sflag:$0x5] =	stream.indirect.gather @p1 [spmem:s4], $0x80, s11, s10, $0xb8;
	[tilespmem:$0x13430] =	vst v63  }
0x7e: {  	_ =	swait.ge @p1 [sflag:s7], $0x4000  }
0x7f: {  	s13 =	simm.s32 @p1 $0xB430;
	s1 =	sadd.s32 @p1 $0x0, s12;
	[sflag:s7] =	ssyncset.done @p1 $0x0  }
0x80: {  	s3 =	sadd.s32 @p1 $0xFFFFF000, s1;
	s11 =	simm.s32 @p1 $0x0;
	[sflag:s7] =	ssyncadd.s32 @p1 $0xFFFFC000  }
0x81: {  	[hbm4b:s3+s11] =	stream.linear.scatter @p1 [tilespmem:s13], [sflag:$0xB], $0x4000, $0x38;
	[tilespmem:$0x13430] =	vst v63  }
0x82: {  	s7 =	simm.s32 @!p1 $0x3230;
	s3 =	simm.s32 @!p1 $0x80;
	s13 =	simm.s32 @!p1 $0x3430  }
0x83: {  	[tilespmem:s13], [sflag:$0x5] =	stream.indirect.gather @!p1 [spmem:s4], $0x80, s7, s3, $0xb8;
	[tilespmem:$0x13430] =	vst v63  }
0x84: {  	s9 =	rddreg [dreg:$0xf]  }
0x85: {  	[tilespmem:s20], [sflag:$0x3] =	stream.linear.gather [hbm4b:s9+s6], $0x80, $0x38;
	[tilespmem:$0x13430] =	vst v63  }
0x86: {  	_ =	swait.ge [sflag:s21], $0x80  }
0x87: {  	[sflag:s21] =	ssyncset.done $0x0  }
0x88: {  	s7 =	simm.s32 @p1 $0xA;
	[sflag:s21] =	ssyncadd.s32 $0xFFFFFF80  }
0x89: {  	_ =	swait.ge @p1 [sflag:s7], $0x4000  }
0x8a: {  	[sflag:s7] =	ssyncset.done @p1 $0x0  }
0x8b: {  	s13 =	simm.s32 @p1 $0x32B0;
	[sflag:s7] =	ssyncadd.s32 @p1 $0xFFFFC000;
	s7 =	simm.s32 @p1 $0x7430  }
0x8c: {  	[tilespmem:s7], [sflag:$0x6] =	stream.indirect.gather @p1 [spmem:s4], $0x80, s13, s10, $0xb8;
	[tilespmem:$0x13430] =	vst v63  }
0x8d: {  	s7 =	simm.s32 @p1 $0x8  }
0x8e: {  	_ =	swait.ge @p1 [sflag:s7], $0x4000  }
0x8f: {  	[sflag:s7] =	ssyncset.done @p1 $0x0  }
0x90: {  	s1 =	sadd.s32 @p1 $0xFFFFF800, s1;
	s10 =	simm.s32 @p1 $0xF430;
	[sflag:s7] =	ssyncadd.s32 @p1 $0xFFFFC000  }
0x91: {  	[hbm4b:s1+s11] =	stream.linear.scatter @p1 [tilespmem:s10], [sflag:$0xC], $0x4000, $0x38;
	[tilespmem:$0x13430] =	vst v63  }
0x92: {  	s7 =	simm.s32 @!p1 $0x7430;
	s1 =	simm.s32 @!p1 $0x32B0  }
0x93: {  	[tilespmem:s7], [sflag:$0x6] =	stream.indirect.gather @!p1 [spmem:s4], $0x80, s1, s3, $0xb8;
	[tilespmem:$0x13430] =	vst v63  }
0x94: {  	s13 =	rddreg [dreg:$0xe]  }
0x95: {  	[tilespmem:s22], [sflag:$0x4] =	stream.linear.gather [hbm4b:s13+s6], $0x80, $0x38;
	[tilespmem:$0x13430] =	vst v63  }
0x96: {  	_ =	swait.ge [sflag:s23], $0x80  }
0x97: {  	p1 =	por $0x1, $0x1;
	[sflag:s23] =	ssyncset.done $0x0  }
0x98: {  	s1 =	simm.s32 @!p1 $0xB;
	[sflag:s23] =	ssyncadd.s32 $0xFFFFFF80  }
0x99: {  	_ =	swait.ge @!p1 [sflag:s1], $0x4000  }
0x9a: {  	p2 =	por $0x0, $0x0;
	s3 =	simm.s32 $0x200;
	[sflag:s1] =	ssyncset.done @!p1 $0x0  }
0x9b: {  	s3 =	simm.s32 @p2 $0x0;
	[sflag:s1] =	ssyncadd.s32 @!p1 $0xFFFFC000  }
0x9c: {  	[tilespmem:s25], [sflag:$0x7] =	stream.indirect.gather [spmem:s4], $0x80, s20, s24, $0xb8;
	[tilespmem:$0x13430] =	vst v63  }
0x9d: {  	s3 =	sadd.s32 s5, s3;
	_ =	swait.ge [sflag:s26], $0x4000  }
0x9e: {  	s3 =	sshrl.u32 s3, $0x3;
	s11 =	rddreg [dreg:$0x6];
	[sflag:s26] =	ssyncset.done $0x0  }
0x9f: {  	s14 =	rddreg [dreg:$0x7];
	[sflag:s26] =	ssyncadd.s32 $0xFFFFC000;
	s1 =	sadd.s32 $0x0, s11  }
0xa0: {  	[hbm4b:s1+s6] =	stream.linear.scatter [tilespmem:s14], [sflag:$0x9], $0x4000, $0x38;
	[tilespmem:$0x13430] =	vst v63  }
0xa1: {  	s15 =	sadd.s32 s0, s3  }
0xa2: {  	[tilespmem:s17], [sflag:$0x1] =	stream.linear.gather [hbm4b:s15+s6], $0x80, $0x38;
	[tilespmem:$0x13430] =	vst v63  }
0xa3: {  	_ =	swait.ge [sflag:s28], $0x80  }
0xa4: {  	[sflag:s28] =	ssyncset.done $0x0  }
0xa5: {  	s1 =	simm.s32 @!p1 $0xC;
	[sflag:s28] =	ssyncadd.s32 $0xFFFFFF80  }
0xa6: {  	_ =	swait.ge @!p1 [sflag:s1], $0x4000  }
0xa7: {  	[sflag:s1] =	ssyncset.done @!p1 $0x0  }
0xa8: {  	s31 =	sadd.s32 $0x0, s12;
	[sflag:s1] =	ssyncadd.s32 @!p1 $0xFFFFC000;
	s1 =	simm.s32 $0x280  }
0xa9: {  	[tilespmem:s29], [sflag:$0x8] =	stream.indirect.gather [spmem:s4], $0x80, s22, s24, $0xb8;
	[tilespmem:$0x13430] =	vst v63  }
0xaa: {  	s10 =	simm.s32 $0x280;
	s1 =	simm.s32 @p2 $0x80;
	_ =	swait.ge [sflag:s30], $0x4000  }
0xab: {  	s7 =	sadd.s32 $0x800, s31;
	s1 =	sadd.s32 s5, s1;
	[sflag:s30] =	ssyncset.done $0x0  }
0xac: {  	s16 =	rddreg [dreg:$0x8];
	s1 =	sshrl.u32 s1, $0x3;
	[sflag:s30] =	ssyncadd.s32 $0xFFFFC000  }
0xad: {  	[hbm4b:s7+s6] =	stream.linear.scatter [tilespmem:s16], [sflag:$0xA], $0x4000, $0x38;
	[tilespmem:$0x13430] =	vst v63  }
0xae: {  	s11 =	simm.s32 $0x2000;
	s1 =	sadd.s32 s0, s1;
	s7 =	sadd.s32 $0x40, s9  }
.LBB2_6:
0xaf: {  	[tilespmem:s18], [sflag:$0x2] =	stream.linear.gather [hbm4b:s1+s6], $0x80, $0x38;
	[tilespmem:$0x13430] =	vst v63  }
0xb0: {  	s3 =	smov.u32 s11;
	_ =	swait.ge [sflag:s19], $0x80  }
0xb1: {  	p2 =	sne.s32 s3, $0x0;
	[sflag:s19] =	ssyncset.done $0x0  }
0xb2: {  	s1 =	simm.s32 @p2 $0x9;
	[sflag:s19] =	ssyncadd.s32 $0xFFFFFF80  }
0xb3: {  	_ =	swait.ge @p2 [sflag:s1], $0x4000  }
0xb4: {  	s8 =	simm.s32 @p2 $0x3430;
	s14 =	simm.s32 @p2 $0x7;
	[sflag:s1] =	ssyncset.done @p2 $0x0  }
0xb5: {  	s31 =	simm.s32 @p2 $0x80;
	s15 =	simm.s32 @p2 $0x3230;
	[sflag:s1] =	ssyncadd.s32 @p2 $0xFFFFC000  }
0xb6: {  	[tilespmem:s8], [sflag:$0x5] =	stream.indirect.gather @p2 [spmem:s4], $0x80, s15, s31, $0xb8;
	[tilespmem:$0x13430] =	vst v63  }
0xb7: {  	s2 =	sadd.s32 @p2 s3, s12;
	_ =	swait.ge @p2 [sflag:s14], $0x4000  }
0xb8: {  	s16 =	sadd.s32 @p2 $0xFFFFF000, s2;
	[sflag:s14] =	ssyncset.done @p2 $0x0  }
0xb9: {  	s1 =	simm.s32 @p2 $0x0;
	s8 =	simm.s32 @p2 $0xB430;
	[sflag:s14] =	ssyncadd.s32 @p2 $0xFFFFC000  }
0xba: {  	[hbm4b:s16+s1] =	stream.linear.scatter @p2 [tilespmem:s8], [sflag:$0xB], $0x4000, $0x38;
	[tilespmem:$0x13430] =	vst v63  }
0xbb: {  	s15 =	simm.s32 @!p2 $0x3430;
	s14 =	simm.s32 @!p2 $0x3230;
	s8 =	simm.s32 @!p2 $0x80  }
0xbc: {  	[tilespmem:s15], [sflag:$0x5] =	stream.indirect.gather @!p2 [spmem:s4], $0x80, s14, s8, $0xb8;
	[tilespmem:$0x13430] =	vst v63  }
0xbd: {  	_ = 	snop  }
0xbe: {  	[tilespmem:s20], [sflag:$0x3] =	stream.linear.gather [hbm4b:s7+s6], $0x80, $0x38;
	[tilespmem:$0x13430] =	vst v63  }
0xbf: {  	_ =	swait.ge [sflag:s21], $0x80  }
0xc0: {  	[sflag:s21] =	ssyncset.done $0x0  }
0xc1: {  	s14 =	simm.s32 @p2 $0xA;
	[sflag:s21] =	ssyncadd.s32 $0xFFFFFF80  }
0xc2: {  	_ =	swait.ge @p2 [sflag:s14], $0x4000  }
0xc3: {  	s9 =	simm.s32 @p2 $0x7430;
	[sflag:s14] =	ssyncset.done @p2 $0x0  }
0xc4: {  	s16 =	simm.s32 @p2 $0x32B0;
	s15 =	simm.s32 @p2 $0x8;
	[sflag:s14] =	ssyncadd.s32 @p2 $0xFFFFC000  }
0xc5: {  	[tilespmem:s9], [sflag:$0x6] =	stream.indirect.gather @p2 [spmem:s4], $0x80, s16, s31, $0xb8;
	[tilespmem:$0x13430] =	vst v63  }
0xc6: {  	_ =	swait.ge @p2 [sflag:s15], $0x4000  }
0xc7: {  	[sflag:s15] =	ssyncset.done @p2 $0x0  }
0xc8: {  	s2 =	sadd.s32 @p2 $0xFFFFF800, s2;
	s9 =	simm.s32 @p2 $0xF430;
	[sflag:s15] =	ssyncadd.s32 @p2 $0xFFFFC000  }
0xc9: {  	[hbm4b:s2+s1] =	stream.linear.scatter @p2 [tilespmem:s9], [sflag:$0xC], $0x4000, $0x38;
	[tilespmem:$0x13430] =	vst v63  }
0xca: {  	s1 =	simm.s32 @!p2 $0x32B0;
	s2 =	simm.s32 @!p2 $0x7430  }
0xcb: {  	[tilespmem:s2], [sflag:$0x6] =	stream.indirect.gather @!p2 [spmem:s4], $0x80, s1, s8, $0xb8;
	[tilespmem:$0x13430] =	vst v63  }
0xcc: {  	s13 =	sadd.s32 $0x40, s13  }
0xcd: {  	[tilespmem:s22], [sflag:$0x4] =	stream.linear.gather [hbm4b:s13+s6], $0x80, $0x38;
	[tilespmem:$0x13430] =	vst v63  }
0xce: {  	_ =	swait.ge [sflag:s23], $0x80  }
0xcf: {  	p2 =	seq.s32 s3, $0x0;
	[sflag:s23] =	ssyncset.done $0x0  }
0xd0: {  	s1 =	simm.s32 @!p2 $0xB;
	[sflag:s23] =	ssyncadd.s32 $0xFFFFFF80  }
0xd1: {  	s10 =	sadd.s32 $0x200, s10;
	_ =	swait.ge @!p2 [sflag:s1], $0x4000  }
0xd2: {  	p3 =	seq.s32 s3, $0x18E000;
	s2 =	sadd.s32 $0xFFFFFF80, s10;
	[sflag:s1] =	ssyncset.done @!p2 $0x0  }
0xd3: {  	s2 =	simm.s32 @p3 $0x0;
	[sflag:s1] =	ssyncadd.s32 @!p2 $0xFFFFC000  }
0xd4: {  	[tilespmem:s25], [sflag:$0x7] =	stream.indirect.gather [spmem:s4], $0x80, s20, s24, $0xb8;
	[tilespmem:$0x13430] =	vst v63  }
0xd5: {  	s2 =	sadd.s32 s5, s2;
	_ =	swait.ge [sflag:s26], $0x4000  }
0xd6: {  	s2 =	sshrl.u32 s2, $0x3;
	s16 =	rddreg [dreg:$0x6];
	[sflag:s26] =	ssyncset.done $0x0  }
0xd7: {  	s31 =	rddreg [dreg:$0x7];
	[sflag:s26] =	ssyncadd.s32 $0xFFFFC000;
	s1 =	sadd.s32 s3, s16  }
0xd8: {  	[hbm4b:s1+s6] =	stream.linear.scatter [tilespmem:s31], [sflag:$0x9], $0x4000, $0x38;
	[tilespmem:$0x13430] =	vst v63  }
0xd9: {  	s8 =	sadd.s32 s0, s2  }
0xda: {  	[tilespmem:s17], [sflag:$0x1] =	stream.linear.gather [hbm4b:s8+s6], $0x80, $0x38;
	[tilespmem:$0x13430] =	vst v63  }
0xdb: {  	_ =	swait.ge [sflag:s28], $0x80  }
0xdc: {  	[sflag:s28] =	ssyncset.done $0x0  }
0xdd: {  	s1 =	simm.s32 @!p2 $0xC;
	[sflag:s28] =	ssyncadd.s32 $0xFFFFFF80  }
0xde: {  	_ =	swait.ge @!p2 [sflag:s1], $0x4000  }
0xdf: {  	s11 =	sadd.s32 $0x2000, s11;
	[sflag:s1] =	ssyncset.done @!p2 $0x0  }
0xe0: {  	p1 =	sne.s32 s11, $0x190000;
	s9 =	smov.u32 s10;
	[sflag:s1] =	ssyncadd.s32 @!p2 $0xFFFFC000  }
0xe1: {  	[tilespmem:s29], [sflag:$0x8] =	stream.indirect.gather [spmem:s4], $0x80, s22, s24, $0xb8;
	[tilespmem:$0x13430] =	vst v63  }
.Ltmp2:
0xe2: {  	s7 =	sadd.s32 $0x40, s7;
	s9 =	simm.s32 @p3 $0x80;
	(pc) =	sbr.rel @p1 .LBB2_6-.Ltmp2, $4  }
0xe3: {  	s15 =	sadd.s32 s3, s12;
	s9 =	sadd.s32 s5, s9;
	_ =	swait.ge [sflag:s30], $0x4000  }
0xe4: {  	s14 =	sshrl.u32 s9, $0x3;
	s31 =	sadd.s32 $0x800, s15;
	[sflag:s30] =	ssyncset.done $0x0  }
0xe5: {  	s1 =	sadd.s32 s0, s14;
	s16 =	rddreg [dreg:$0x8];
	[sflag:s30] =	ssyncadd.s32 $0xFFFFC000  }
0xe6: {  	[hbm4b:s31+s6] =	stream.linear.scatter [tilespmem:s16], [sflag:$0xA], $0x4000, $0x38;
	[tilespmem:$0x13430] =	vst v63  }
0xe7: {  	[tilespmem:s18], [sflag:$0x2] =	stream.linear.gather [hbm4b:s1+s6], $0x80, $0x38;
	[tilespmem:$0x13430] =	vst v63  }
0xe8: {  	s8 =	simm.s32 $0x7  }
0xe9: {  	_ =	swait.ge [sflag:s8], $0x4000  }
0xea: {  	[sflag:s8] =	ssyncset.done $0x0  }
0xeb: {  	s10 =	simm.s32 $0x8;
	s9 =	rddreg [dreg:$0xb];
	[sflag:s8] =	ssyncadd.s32 $0xFFFFC000  }
0xec: {  	[hbm4b:s9+s6] =	stream.linear.scatter [tilespmem:s25], [sflag:$0xB], $0x4000, $0x38;
	[tilespmem:$0x13430] =	vst v63  }
0xed: {  	_ =	swait.ge [sflag:s10], $0x4000  }
0xee: {  	[sflag:s10] =	ssyncset.done $0x0  }
0xef: {  	s13 =	simm.s32 $0x9;
	s11 =	rddreg [dreg:$0xc];
	[sflag:s10] =	ssyncadd.s32 $0xFFFFC000  }
0xf0: {  	[hbm4b:s11+s6] =	stream.linear.scatter [tilespmem:s29], [sflag:$0xC], $0x4000, $0x38;
	[tilespmem:$0x13430] =	vst v63  }
0xf1: {  	_ =	swait.ge [sflag:s13], $0x4000  }
0xf2: {  	[sflag:s13] =	ssyncset.done $0x0  }
0xf3: {  	s14 =	simm.s32 $0xA;
	[sflag:s13] =	ssyncadd.s32 $0xFFFFC000  }
0xf4: {  	_ =	swait.ge [sflag:s14], $0x4000  }
0xf5: {  	[sflag:s14] =	ssyncset.done $0x0  }
0xf6: {  	s15 =	simm.s32 $0xB;
	[sflag:s14] =	ssyncadd.s32 $0xFFFFC000  }
0xf7: {  	_ =	swait.ge [sflag:s15], $0x4000  }
0xf8: {  	[sflag:s15] =	ssyncset.done $0x0  }
0xf9: {  	s16 =	simm.s32 $0xC;
	[sflag:s15] =	ssyncadd.s32 $0xFFFFC000  }
0xfa: {  	_ =	swait.ge [sflag:s16], $0x4000  }
0xfb: {  	[sflag:s16] =	ssyncset.done $0x0  }
0xfc: {  	[sflag:s16] =	ssyncadd.s32 $0xFFFFC000  }
0xfd: {  	_ =	swait.ge [sflag:s19], $0x80  }
0xfe: {  	[sflag:s19] =	ssyncset.done $0x0  }
0xff: {  	[sflag:s19] =	ssyncadd.s32 $0xFFFFFF80  }
0x100: {  	_ =	swait.ge [sflag:s21], $0x80  }
0x101: {  	s2 =	rddreg [dreg:$0x10]  }
0x102: {  	s31 =	rddreg [dreg:$0xd];
	s2 =	sadd.s32 $0x1, s2  }
0x103: {  	p1 =	sne.s32 s2, s31  }
.Ltmp3:
0x104: {  	_ = 	snop;
	(pc) =	sbr.rel @p1 .LBB2_1-.Ltmp3, $3  }
0x105: {  	_ =	sdelay $0x1  }
0x106: {  	[sflag:s21] =	ssyncset.done $0x0  }
0x107: {  	[sflag:s21] =	ssyncadd.s32 $0xFFFFFF80  }
0x108: {  	_ =	sfence.sel $0x180000  }
0x109: {  	[bflag:$0x0] =	sbarrier.arrive $0xFFFF  }
0x10a: {  	_ =	strace $0x90000047  }
0x10b: {  	[bflag:$0x2] =	sbarrier.arrive $0xFFFF  }
0x10c: {  	s0 =	rddreg [dreg:$0x5]  }
0x10d: {  	s0 =	sadd.s32 @!p0 $0x100000, s0  }
0x10e: {  	[sflag:s0] =	ssyncadd.tile.s32 @!p0 $0x1;
	_ =	shalt  }
.Lfunc_end2:
_tile_overlayer_lowered:
.L_overlay_start_2:
0x10f: {  	(tag) =	ssettag $0x2  }
0x110: {  	s0 =	rddreg [dreg:$0x0];
	s2 =	stileid.u32  }
0x111: {  	s1 =	rddreg [dreg:$0x1];
	p0 =	sne.s32 s2, $0x0  }
0x112: {  	s3 =	rddreg [dreg:$0x2];
	[bflag:$0x3] =	sbarrier.arrive $0xFFFF;
	s2 =	simm.s32 @!p0 $0x1C0D  }
0x113: {  	[timem:s3], [sflag:s2] =	dma.local @!p0 [hbm:s0], s1  }
0x114: {  	s0 =	simm.s32 @!p0 $0xD  }
0x115: {  	_ =	swait.ge @!p0 [sflag:s0], s1  }
0x116: {  	s1 =	ssub.s32 @!p0 $0x0, s1;
	[sflag:s0] =	ssyncset.done @!p0 $0x0  }
0x117: {  	[sflag:s0] =	ssyncadd.s32 @!p0 s1  }
0x118: {  	[bflag:$0x3] =	sbarrier.arrive $0xFFFF  }
0x119: {  	_ =	shalt  }

</sc_bundles>
